<compile_context>
chip_gen: v7x
topology: tpu7x:2x2x1
jax: 0.10.2.dev20260603
libtpu: 0.0.44.dev20260713+nightly
codegen_flags: <defaults>
</compile_context>

<pallas_src>
import functools

import jax
import jax.numpy as jnp
from jax import lax
from jax.experimental import pallas as pl
from jax.experimental.pallas import tpu as pltpu
from jax.experimental.pallas import tpu_sc as plsc

VOCAB = 8192
EMBED = 32
BATCH = 8192
N_SPLIT = 2
SPLIT = BATCH // N_SPLIT
ROW_BLOCK = 512
GRID = SPLIT // ROW_BLOCK


def _vq_body(z_ref, cbt_ref, idx_ref, loss_ref):
    i = pl.program_id(0)
    z_blk = z_ref[...]
    cbt = cbt_ref[...]

    zc2 = jnp.dot(z_blk, cbt * 2.0, preferred_element_type=jnp.float32)
    znorm = jnp.sum(z_blk * z_blk, axis=1, keepdims=True)
    cnorm = jnp.sum(cbt * cbt, axis=0, keepdims=True)
    d = (znorm + cnorm) - zc2

    half = VOCAB // 2
    d0 = d[:, :half]
    d1 = d[:, half:]
    kiota = lax.broadcasted_iota(jnp.int32, d0.shape, 1)
    dmin0 = jnp.min(d0, axis=1, keepdims=True)
    idx0 = jnp.min(jnp.where(d0 == dmin0, kiota, VOCAB), axis=1,
                   keepdims=True)
    dmin1 = jnp.min(d1, axis=1, keepdims=True)
    idx1 = jnp.min(jnp.where(d1 == dmin1, kiota + half, VOCAB), axis=1,
                   keepdims=True)
    v0 = dmin0.astype(jnp.bfloat16).astype(jnp.float32)
    win1 = dmin1 < v0
    idx = jnp.where(win1, idx1, idx0)
    dsel = jnp.where(win1, dmin1, dmin0)
    idx_ref[...] = idx

    loss_part = jnp.sum(dsel).reshape(1, 1)

    @pl.when(i == 0)
    def _init():
        loss_ref[...] = loss_part

    @pl.when(i > 0)
    def _acc():
        loss_ref[...] += loss_part


def _tc_quantize(z, cbt):
    return pl.pallas_call(
        _vq_body,
        grid=(GRID,),
        in_specs=[
            pl.BlockSpec((ROW_BLOCK, EMBED), lambda i: (i, 0)),
            pl.BlockSpec((EMBED, VOCAB), lambda i: (0, 0)),
        ],
        out_specs=[
            pl.BlockSpec((ROW_BLOCK, 1), lambda i: (i, 0)),
            pl.BlockSpec((1, 1), lambda i: (0, 0)),
        ],
        out_shape=[
            jax.ShapeDtypeStruct((SPLIT, 1), jnp.int32),
            jax.ShapeDtypeStruct((1, 1), jnp.float32),
        ],
        compiler_params=pltpu.CompilerParams(
            dimension_semantics=("arbitrary",)),
    )(z, cbt)


def _final_body(h0_ref, h1_ref, l0_ref, l1_ref, perp_ref, loss_ref):
    counts = (jnp.sum(h0_ref[...], axis=0, keepdims=True)
              + jnp.sum(h1_ref[...], axis=0, keepdims=True))
    p = counts * (1.0 / BATCH)
    ent = -jnp.sum(p * jnp.log(p + 1e-10))
    perp_ref[...] = jnp.exp(ent).reshape(1, 1)
    loss_ref[...] = (l0_ref[...] + l1_ref[...]) * (1.0 / (BATCH * EMBED))


def _tc_final(h0, h1, l0, l1):
    return pl.pallas_call(
        _final_body,
        out_shape=[jax.ShapeDtypeStruct((1, 1), jnp.float32),
                   jax.ShapeDtypeStruct((1, 1), jnp.float32)],
    )(h0, h1, l0, l1)


def _make_sc_gather():
    info = plsc.get_sparse_core_info()
    nw = info.num_cores * info.num_subcores
    b_per_w = SPLIT // nw
    n_chunks = b_per_w // 16
    mesh = plsc.VectorSubcoreMesh(core_axis_name="c", subcore_axis_name="s")

    @functools.partial(
        pl.kernel,
        mesh=mesh,
        out_type=[
            jax.ShapeDtypeStruct((SPLIT, EMBED), jnp.float32),
            jax.ShapeDtypeStruct((nw, VOCAB), jnp.float32),
        ],
        scratch_types=[
            pltpu.VMEM((b_per_w,), jnp.int32),
            pltpu.VMEM((b_per_w, EMBED), jnp.float32),
            pltpu.VMEM((VOCAB,), jnp.float32),
            pltpu.SemaphoreType.DMA,
        ],
        compiler_params=pltpu.CompilerParams(use_tc_tiling_on_sc=False,
                                             needs_layout_passes=False),
    )
    def gather_k(table_hbm, idx_hbm, out_hbm, hist_hbm,
                 idx_v, rows_v, hist_v, sem):
        wid = lax.axis_index("s") * info.num_cores + lax.axis_index("c")
        base = wid * b_per_w
        pltpu.sync_copy(idx_hbm.at[pl.ds(base, b_per_w)], idx_v)
        gather = pltpu.async_copy(table_hbm.at[idx_v], rows_v, sem)

        zeros16 = jnp.zeros((16,), jnp.float32)

        def _zero(j, carry):
            hist_v[pl.ds(j * 16, 16)] = zeros16
            return carry

        lax.fori_loop(0, VOCAB // 16, _zero, 0, unroll=8)

        def _hist(c, carry):
            iv = idx_v[pl.ds(c * 16, 16)]
            rc, last = plsc.scan_count(iv)
            plsc.addupdate_scatter(hist_v, [iv], rc.astype(jnp.float32),
                                   mask=last)
            return carry

        lax.fori_loop(0, n_chunks, _hist, 0, unroll=4)

        pltpu.sync_copy(hist_v, hist_hbm.at[wid])
        gather.wait()
        pltpu.sync_copy(rows_v, out_hbm.at[pl.ds(base, b_per_w)])

    return gather_k


def kernel(z, codebook):
    cbt = codebook.T
    sc_gather = _make_sc_gather()
    idx_parts, zq_parts, hists, losses = [], [], [], []
    for s in range(N_SPLIT):
        idx2d, lsum = _tc_quantize(z[s * SPLIT:(s + 1) * SPLIT], cbt)
        indices = idx2d[:, 0]
        z_q, hist = sc_gather(codebook, indices)
        idx_parts.append(indices)
        zq_parts.append(z_q)
        hists.append(hist)
        losses.append(lsum)
    perp, loss = _tc_final(hists[0], hists[1], losses[0], losses[1])
    z_q = jnp.concatenate(zq_parts, axis=0)
    indices = jnp.concatenate(idx_parts, axis=0)
    return z_q, indices, loss[0, 0], perp[0, 0]

# --- scband reference (transcript-rebuilt; emitter-appended) ---
"""Pipeline reference for scband-vector-quantizer-72722386256093 (READ-ONLY COPY).

The authoritative reference and input builder live on the scoring server;
editing this copy changes nothing except your own understanding.
"""

import jax, jax.numpy as jnp
import numpy as np

VOCAB_SIZE = 8192
EMBED_DIM = 32
B = 8192


def setup_inputs(seed: int = 0) -> dict:
    key = jax.random.key(seed)
    k1, k2 = jax.random.split(key)
    z = jax.random.normal(k1, (B, EMBED_DIM), dtype=jnp.float32)
    codebook = jax.random.uniform(
        k2, (VOCAB_SIZE, EMBED_DIM), dtype=jnp.float32,
        minval=-1.0 / VOCAB_SIZE, maxval=1.0 / VOCAB_SIZE,
    )
    return {"z": z, "codebook": codebook}


def reference(z, codebook):
    # 2D input path: (B, C) -> z_flat (B, 1, C)
    z_flat = z[:, None, :].astype(jnp.float32)
    cb = codebook.astype(jnp.float32)
    # squared L2 distances to every code
    d = (
        jnp.sum(z_flat ** 2, axis=-1, keepdims=True)
        + jnp.sum(cb ** 2, axis=-1)
        - 2.0 * jnp.matmul(z_flat, cb.T)
    )  # (B, 1, K)
    indices = jnp.argmin(d, axis=-1)  # (B, 1) int
    z_q = jnp.take(cb, indices, axis=0)  # (B, 1, C)
    z_q_detached = jax.lax.stop_gradient(z_q)
    commitment_loss = jnp.mean((z_q_detached - z_flat) ** 2)
    encodings = jax.nn.one_hot(indices, VOCAB_SIZE, dtype=jnp.float32)  # (B, 1, K)
    avg_probs = jnp.mean(encodings, axis=0)  # (1, K)
    perplexity = jnp.exp(-jnp.sum(avg_probs * jnp.log(avg_probs + 1e-10)))
    z_q_out = jnp.squeeze(z_q, axis=1)  # (B, C)
    indices_out = jnp.squeeze(indices, axis=-1)  # (B,)
    return (z_q_out, indices_out, commitment_loss, perplexity)

if __name__ == "__main__":
    import jax
    _d = setup_inputs()
    print(jax.jit(kernel)(*tuple(_d.values())))

</pallas_src>

<mosaic_0001>
#map = affine_map<(d0, d1) -> (0, 0)>
#map1 = affine_map<(d0, d1) -> (0)>
module attributes {stable_mosaic.version = 14 : i64} {
  func.func @gather_k(%arg0: i32, %arg1: i32, %arg2: memref<8192x32xf32, #tpu.memory_space<hbm>>, %arg3: memref<4096xi32, #tpu.memory_space<hbm>>, %arg4: memref<4096x32xf32, #tpu.memory_space<hbm>>, %arg5: memref<32x8192xf32, #tpu.memory_space<hbm>>, %arg6: memref<128xi32, #tpu.memory_space<vmem>>, %arg7: memref<128x32xf32, #tpu.memory_space<vmem>>, %arg8: memref<8192xf32, #tpu.memory_space<vmem>>, %arg9: memref<!tpu.dma_semaphore, #tpu.memory_space<semaphore_mem>>) attributes {dimension_semantics = [#tpu.dimension_semantics<core_parallel>, #tpu.dimension_semantics<subcore_parallel>], iteration_bounds = array<i64: 2, 16>, scalar_prefetch = 0 : i64, scratch_operands = 4 : i64, tpu.core_type = #tpu.core_type<sc_vector_subcore>, window_params = [{transform_indices = #map}, {transform_indices = #map1}, {transform_indices = #map}, {transform_indices = #map}]} {
    %mul3A = arith.constant 2 : i32
    %mul3A_0 = arith.muli %arg1, %mul3A : i32
    %add3A = arith.addi %mul3A_0, %arg0 : i32
    %mul3A_1 = arith.constant 128 : i32
    %mul3A_2 = arith.muli %add3A, %mul3A_1 : i32
    "tpu.region"() ({
      %run_scoped3A = tpu.sem_alloc : memref<!tpu.dma_semaphore, #tpu.memory_space<semaphore_mem>>
      %dma_start3A_19 = tpu.memref_slice %arg3[%mul3A_2] : memref<4096xi32, #tpu.memory_space<hbm>> -> memref<128xi32, #tpu.memory_space<hbm>>
      %dma_start3A_20 = tpu.memref_slice %arg3[%mul3A_2] : memref<4096xi32, #tpu.memory_space<hbm>> -> memref<128xi32, #tpu.memory_space<hbm>>
      tpu.enqueue_dma source(%dma_start3A_20 : memref<128xi32, #tpu.memory_space<hbm>>) target(%arg6 : memref<128xi32, #tpu.memory_space<vmem>>) target_semaphore(%run_scoped3A : memref<!tpu.dma_semaphore, #tpu.memory_space<semaphore_mem>>)
      %dma_wait3A_21 = tpu.memref_slice %arg3[%mul3A_2] : memref<4096xi32, #tpu.memory_space<hbm>> -> memref<128xi32, #tpu.memory_space<hbm>>
      %dma_wait3A_22 = tpu.memref_slice %arg3[%mul3A_2] : memref<4096xi32, #tpu.memory_space<hbm>> -> memref<128xi32, #tpu.memory_space<hbm>>
      tpu.wait_dma2 semaphore(%run_scoped3A : memref<!tpu.dma_semaphore, #tpu.memory_space<semaphore_mem>>) src(%dma_wait3A_22 : memref<128xi32, #tpu.memory_space<hbm>>) dst(%arg6 : memref<128xi32, #tpu.memory_space<vmem>>)
      tpu.yield
    }) : () -> ()
    %dma_start3A = arith.constant 0 : i32
    %dma_start3A_3 = arith.constant 0 : i32
    %dma_start3A_4 = tpu.memref_slice %arg2[%dma_start3A, %dma_start3A_3] : memref<8192x32xf32, #tpu.memory_space<hbm>> -> memref<8192x32xf32, #tpu.memory_space<hbm>>
    tpu.enqueue_indirect_dma source(%dma_start3A_4 : memref<8192x32xf32, #tpu.memory_space<hbm>>) target(%arg7 : memref<128x32xf32, #tpu.memory_space<vmem>>) offsets(%arg6 : memref<128xi32, #tpu.memory_space<vmem>>) semaphore(%arg9 : memref<!tpu.dma_semaphore, #tpu.memory_space<semaphore_mem>>)
    %broadcast_in_dim3A = arith.constant 0.000000e+00 : f32
    %broadcast_in_dim3A_5 = vector.broadcast %broadcast_in_dim3A : f32 to vector<16xf32>
    %scan3A = arith.constant 0 : i32
    %scan3A_6 = arith.constant 0 : i32
    %scan3A_7 = arith.constant 512 : i32
    %scan3A_8 = arith.addi %scan3A_6, %scan3A_7 : i32
    %scan3A_9 = arith.constant 8 : i32
    scf.for %scan3A_19 = %scan3A_6 to %scan3A_8 step %scan3A_9  : i32 {
      %mul3A_20 = arith.constant 16 : i32
      %mul3A_21 = arith.muli %scan3A_19, %mul3A_20 : i32
      %swap3A = arith.index_cast %mul3A_21 : i32 to index
      %swap3A_22 = tpu.vector_load %arg8[%swap3A] {strides = array<i32>} : memref<8192xf32, #tpu.memory_space<vmem>>, vector<16xf32>,
      tpu.vector_store %arg8[%swap3A], %broadcast_in_dim3A_5 {strides = array<i32>} : memref<8192xf32, #tpu.memory_space<vmem>>, vector<16xf32>,
      %scan3A_23 = arith.constant 1 : i32
      %scan3A_24 = arith.addi %scan3A_19, %scan3A_23 : i32
      %mul3A_25 = arith.constant 16 : i32
      %mul3A_26 = arith.muli %scan3A_24, %mul3A_25 : i32
      %swap3A_27 = arith.index_cast %mul3A_26 : i32 to index
      %swap3A_28 = tpu.vector_load %arg8[%swap3A_27] {strides = array<i32>} : memref<8192xf32, #tpu.memory_space<vmem>>, vector<16xf32>,
      tpu.vector_store %arg8[%swap3A_27], %broadcast_in_dim3A_5 {strides = array<i32>} : memref<8192xf32, #tpu.memory_space<vmem>>, vector<16xf32>,
      %scan3A_29 = arith.constant 2 : i32
      %scan3A_30 = arith.addi %scan3A_19, %scan3A_29 : i32
      %mul3A_31 = arith.constant 16 : i32
      %mul3A_32 = arith.muli %scan3A_30, %mul3A_31 : i32
      %swap3A_33 = arith.index_cast %mul3A_32 : i32 to index
      %swap3A_34 = tpu.vector_load %arg8[%swap3A_33] {strides = array<i32>} : memref<8192xf32, #tpu.memory_space<vmem>>, vector<16xf32>,
      tpu.vector_store %arg8[%swap3A_33], %broadcast_in_dim3A_5 {strides = array<i32>} : memref<8192xf32, #tpu.memory_space<vmem>>, vector<16xf32>,
      %scan3A_35 = arith.constant 3 : i32
      %scan3A_36 = arith.addi %scan3A_19, %scan3A_35 : i32
      %mul3A_37 = arith.constant 16 : i32
      %mul3A_38 = arith.muli %scan3A_36, %mul3A_37 : i32
      %swap3A_39 = arith.index_cast %mul3A_38 : i32 to index
      %swap3A_40 = tpu.vector_load %arg8[%swap3A_39] {strides = array<i32>} : memref<8192xf32, #tpu.memory_space<vmem>>, vector<16xf32>,
      tpu.vector_store %arg8[%swap3A_39], %broadcast_in_dim3A_5 {strides = array<i32>} : memref<8192xf32, #tpu.memory_space<vmem>>, vector<16xf32>,
      %scan3A_41 = arith.constant 4 : i32
      %scan3A_42 = arith.addi %scan3A_19, %scan3A_41 : i32
      %mul3A_43 = arith.constant 16 : i32
      %mul3A_44 = arith.muli %scan3A_42, %mul3A_43 : i32
      %swap3A_45 = arith.index_cast %mul3A_44 : i32 to index
      %swap3A_46 = tpu.vector_load %arg8[%swap3A_45] {strides = array<i32>} : memref<8192xf32, #tpu.memory_space<vmem>>, vector<16xf32>,
      tpu.vector_store %arg8[%swap3A_45], %broadcast_in_dim3A_5 {strides = array<i32>} : memref<8192xf32, #tpu.memory_space<vmem>>, vector<16xf32>,
      %scan3A_47 = arith.constant 5 : i32
      %scan3A_48 = arith.addi %scan3A_19, %scan3A_47 : i32
      %mul3A_49 = arith.constant 16 : i32
      %mul3A_50 = arith.muli %scan3A_48, %mul3A_49 : i32
      %swap3A_51 = arith.index_cast %mul3A_50 : i32 to index
      %swap3A_52 = tpu.vector_load %arg8[%swap3A_51] {strides = array<i32>} : memref<8192xf32, #tpu.memory_space<vmem>>, vector<16xf32>,
      tpu.vector_store %arg8[%swap3A_51], %broadcast_in_dim3A_5 {strides = array<i32>} : memref<8192xf32, #tpu.memory_space<vmem>>, vector<16xf32>,
      %scan3A_53 = arith.constant 6 : i32
      %scan3A_54 = arith.addi %scan3A_19, %scan3A_53 : i32
      %mul3A_55 = arith.constant 16 : i32
      %mul3A_56 = arith.muli %scan3A_54, %mul3A_55 : i32
      %swap3A_57 = arith.index_cast %mul3A_56 : i32 to index
      %swap3A_58 = tpu.vector_load %arg8[%swap3A_57] {strides = array<i32>} : memref<8192xf32, #tpu.memory_space<vmem>>, vector<16xf32>,
      tpu.vector_store %arg8[%swap3A_57], %broadcast_in_dim3A_5 {strides = array<i32>} : memref<8192xf32, #tpu.memory_space<vmem>>, vector<16xf32>,
      %scan3A_59 = arith.constant 7 : i32
      %scan3A_60 = arith.addi %scan3A_19, %scan3A_59 : i32
      %mul3A_61 = arith.constant 16 : i32
      %mul3A_62 = arith.muli %scan3A_60, %mul3A_61 : i32
      %swap3A_63 = arith.index_cast %mul3A_62 : i32 to index
      %swap3A_64 = tpu.vector_load %arg8[%swap3A_63] {strides = array<i32>} : memref<8192xf32, #tpu.memory_space<vmem>>, vector<16xf32>,
      tpu.vector_store %arg8[%swap3A_63], %broadcast_in_dim3A_5 {strides = array<i32>} : memref<8192xf32, #tpu.memory_space<vmem>>, vector<16xf32>,
    }
    %scan3A_10 = arith.constant 512 : i32
    %scan3A_11 = arith.constant 0 : i32
    %scan3A_12 = arith.constant 0 : i32
    %scan3A_13 = arith.constant 8 : i32
    %scan3A_14 = arith.addi %scan3A_12, %scan3A_13 : i32
    %scan3A_15 = arith.constant 4 : i32
    scf.for %scan3A_19 = %scan3A_12 to %scan3A_14 step %scan3A_15  : i32 {
      %mul3A_20 = arith.constant 16 : i32
      %mul3A_21 = arith.muli %scan3A_19, %mul3A_20 : i32
      %get3A = arith.index_cast %mul3A_21 : i32 to index
      %get3A_22 = tpu.vector_load %arg6[%get3A] {strides = array<i32>} : memref<128xi32, #tpu.memory_space<vmem>>, vector<16xi32>,
      %broadcast_in_dim3A_23 = arith.constant true
      %broadcast_in_dim3A_24 = vector.broadcast %broadcast_in_dim3A_23 : i1 to vector<16xi1>
      %unique3A, %unique3A_25 = tpu.scan_count mask(%broadcast_in_dim3A_24 : vector<16xi1>) value(%get3A_22 : vector<16xi32>) : vector<16xi1>, vector<16xi32>
      %convert_element_type3A = arith.sitofp %unique3A_25 : vector<16xi32> to vector<16xf32>
      tpu.vector_store_idx %arg8[%get3A_22], %convert_element_type3A masked %unique3A {add = true} : memref<8192xf32, #tpu.memory_space<vmem>>[vector<16xi32>], vector<16xf32>, vector<16xi1>
      %scan3A_26 = arith.constant 1 : i32
      %scan3A_27 = arith.addi %scan3A_19, %scan3A_26 : i32
      %mul3A_28 = arith.constant 16 : i32
      %mul3A_29 = arith.muli %scan3A_27, %mul3A_28 : i32
      %get3A_30 = arith.index_cast %mul3A_29 : i32 to index
      %get3A_31 = tpu.vector_load %arg6[%get3A_30] {strides = array<i32>} : memref<128xi32, #tpu.memory_space<vmem>>, vector<16xi32>,
      %broadcast_in_dim3A_32 = arith.constant true
      %broadcast_in_dim3A_33 = vector.broadcast %broadcast_in_dim3A_32 : i1 to vector<16xi1>
      %unique3A_34, %unique3A_35 = tpu.scan_count mask(%broadcast_in_dim3A_33 : vector<16xi1>) value(%get3A_31 : vector<16xi32>) : vector<16xi1>, vector<16xi32>
      %convert_element_type3A_36 = arith.sitofp %unique3A_35 : vector<16xi32> to vector<16xf32>
      tpu.vector_store_idx %arg8[%get3A_31], %convert_element_type3A_36 masked %unique3A_34 {add = true} : memref<8192xf32, #tpu.memory_space<vmem>>[vector<16xi32>], vector<16xf32>, vector<16xi1>
      %scan3A_37 = arith.constant 2 : i32
      %scan3A_38 = arith.addi %scan3A_19, %scan3A_37 : i32
      %mul3A_39 = arith.constant 16 : i32
      %mul3A_40 = arith.muli %scan3A_38, %mul3A_39 : i32
      %get3A_41 = arith.index_cast %mul3A_40 : i32 to index
      %get3A_42 = tpu.vector_load %arg6[%get3A_41] {strides = array<i32>} : memref<128xi32, #tpu.memory_space<vmem>>, vector<16xi32>,
      %broadcast_in_dim3A_43 = arith.constant true
      %broadcast_in_dim3A_44 = vector.broadcast %broadcast_in_dim3A_43 : i1 to vector<16xi1>
      %unique3A_45, %unique3A_46 = tpu.scan_count mask(%broadcast_in_dim3A_44 : vector<16xi1>) value(%get3A_42 : vector<16xi32>) : vector<16xi1>, vector<16xi32>
      %convert_element_type3A_47 = arith.sitofp %unique3A_46 : vector<16xi32> to vector<16xf32>
      tpu.vector_store_idx %arg8[%get3A_42], %convert_element_type3A_47 masked %unique3A_45 {add = true} : memref<8192xf32, #tpu.memory_space<vmem>>[vector<16xi32>], vector<16xf32>, vector<16xi1>
      %scan3A_48 = arith.constant 3 : i32
      %scan3A_49 = arith.addi %scan3A_19, %scan3A_48 : i32
      %mul3A_50 = arith.constant 16 : i32
      %mul3A_51 = arith.muli %scan3A_49, %mul3A_50 : i32
      %get3A_52 = arith.index_cast %mul3A_51 : i32 to index
      %get3A_53 = tpu.vector_load %arg6[%get3A_52] {strides = array<i32>} : memref<128xi32, #tpu.memory_space<vmem>>, vector<16xi32>,
      %broadcast_in_dim3A_54 = arith.constant true
      %broadcast_in_dim3A_55 = vector.broadcast %broadcast_in_dim3A_54 : i1 to vector<16xi1>
      %unique3A_56, %unique3A_57 = tpu.scan_count mask(%broadcast_in_dim3A_55 : vector<16xi1>) value(%get3A_53 : vector<16xi32>) : vector<16xi1>, vector<16xi32>
      %convert_element_type3A_58 = arith.sitofp %unique3A_57 : vector<16xi32> to vector<16xf32>
      tpu.vector_store_idx %arg8[%get3A_53], %convert_element_type3A_58 masked %unique3A_56 {add = true} : memref<8192xf32, #tpu.memory_space<vmem>>[vector<16xi32>], vector<16xf32>, vector<16xi1>
    }
    %scan3A_16 = arith.constant 8 : i32
    "tpu.region"() ({
      %run_scoped3A = tpu.sem_alloc : memref<!tpu.dma_semaphore, #tpu.memory_space<semaphore_mem>>
      %dma_start3A_19 = arith.constant 0 : i32
      %dma_start3A_20 = tpu.memref_slice %arg5[%add3A, %dma_start3A_19] : memref<32x8192xf32, #tpu.memory_space<hbm>> -> memref<1x8192xf32, #tpu.memory_space<hbm>>
      %dma_start3A_21 = tpu.memref_squeeze %dma_start3A_20 : memref<1x8192xf32, #tpu.memory_space<hbm>> -> memref<8192xf32, #tpu.memory_space<hbm>>
      %dma_start3A_22 = arith.constant 0 : i32
      %dma_start3A_23 = tpu.memref_slice %arg5[%add3A, %dma_start3A_22] : memref<32x8192xf32, #tpu.memory_space<hbm>> -> memref<1x8192xf32, #tpu.memory_space<hbm>>
      %dma_start3A_24 = tpu.memref_squeeze %dma_start3A_23 : memref<1x8192xf32, #tpu.memory_space<hbm>> -> memref<8192xf32, #tpu.memory_space<hbm>>
      tpu.enqueue_dma source(%arg8 : memref<8192xf32, #tpu.memory_space<vmem>>) target(%dma_start3A_24 : memref<8192xf32, #tpu.memory_space<hbm>>) target_semaphore(%run_scoped3A : memref<!tpu.dma_semaphore, #tpu.memory_space<semaphore_mem>>)
      %dma_wait3A_25 = arith.constant 0 : i32
      %dma_wait3A_26 = tpu.memref_slice %arg5[%add3A, %dma_wait3A_25] : memref<32x8192xf32, #tpu.memory_space<hbm>> -> memref<1x8192xf32, #tpu.memory_space<hbm>>
      %dma_wait3A_27 = tpu.memref_squeeze %dma_wait3A_26 : memref<1x8192xf32, #tpu.memory_space<hbm>> -> memref<8192xf32, #tpu.memory_space<hbm>>
      %dma_wait3A_28 = arith.constant 0 : i32
      %dma_wait3A_29 = tpu.memref_slice %arg5[%add3A, %dma_wait3A_28] : memref<32x8192xf32, #tpu.memory_space<hbm>> -> memref<1x8192xf32, #tpu.memory_space<hbm>>
      %dma_wait3A_30 = tpu.memref_squeeze %dma_wait3A_29 : memref<1x8192xf32, #tpu.memory_space<hbm>> -> memref<8192xf32, #tpu.memory_space<hbm>>
      tpu.wait_dma2 semaphore(%run_scoped3A : memref<!tpu.dma_semaphore, #tpu.memory_space<semaphore_mem>>) src(%arg8 : memref<8192xf32, #tpu.memory_space<vmem>>) dst(%dma_wait3A_30 : memref<8192xf32, #tpu.memory_space<hbm>>)
      tpu.yield
    }) : () -> ()
    %dma_wait3A = arith.constant 0 : i32
    %dma_wait3A_17 = arith.constant 0 : i32
    %dma_wait3A_18 = tpu.memref_slice %arg2[%dma_wait3A, %dma_wait3A_17] : memref<8192x32xf32, #tpu.memory_space<hbm>> -> memref<8192x32xf32, #tpu.memory_space<hbm>>
    tpu.wait_indirect_dma semaphore(%arg9 : memref<!tpu.dma_semaphore, #tpu.memory_space<semaphore_mem>>) src(%dma_wait3A_18 : memref<8192x32xf32, #tpu.memory_space<hbm>>) dst(%arg7 : memref<128x32xf32, #tpu.memory_space<vmem>>)
    "tpu.region"() ({
      %run_scoped3A = tpu.sem_alloc : memref<!tpu.dma_semaphore, #tpu.memory_space<semaphore_mem>>
      %dma_start3A_19 = arith.constant 0 : i32
      %dma_start3A_20 = tpu.memref_slice %arg4[%mul3A_2, %dma_start3A_19] : memref<4096x32xf32, #tpu.memory_space<hbm>> -> memref<128x32xf32, #tpu.memory_space<hbm>>
      %dma_start3A_21 = arith.constant 0 : i32
      %dma_start3A_22 = tpu.memref_slice %arg4[%mul3A_2, %dma_start3A_21] : memref<4096x32xf32, #tpu.memory_space<hbm>> -> memref<128x32xf32, #tpu.memory_space<hbm>>
      tpu.enqueue_dma source(%arg7 : memref<128x32xf32, #tpu.memory_space<vmem>>) target(%dma_start3A_22 : memref<128x32xf32, #tpu.memory_space<hbm>>) target_semaphore(%run_scoped3A : memref<!tpu.dma_semaphore, #tpu.memory_space<semaphore_mem>>)
      %dma_wait3A_23 = arith.constant 0 : i32
      %dma_wait3A_24 = tpu.memref_slice %arg4[%mul3A_2, %dma_wait3A_23] : memref<4096x32xf32, #tpu.memory_space<hbm>> -> memref<128x32xf32, #tpu.memory_space<hbm>>
      %dma_wait3A_25 = arith.constant 0 : i32
      %dma_wait3A_26 = tpu.memref_slice %arg4[%mul3A_2, %dma_wait3A_25] : memref<4096x32xf32, #tpu.memory_space<hbm>> -> memref<128x32xf32, #tpu.memory_space<hbm>>
      tpu.wait_dma2 semaphore(%run_scoped3A : memref<!tpu.dma_semaphore, #tpu.memory_space<semaphore_mem>>) src(%arg7 : memref<128x32xf32, #tpu.memory_space<vmem>>) dst(%dma_wait3A_26 : memref<128x32xf32, #tpu.memory_space<hbm>>)
      tpu.yield
    }) : () -> ()
    return
  }
}

#map = affine_map<(d0, d1) -> (0, 0)>
#map1 = affine_map<(d0, d1) -> (0)>
module attributes {stable_mosaic.version = 14 : i64} {
  func.func @gather_k(%arg0: i32, %arg1: i32, %arg2: memref<8192x32xf32, #tpu.memory_space<hbm>>, %arg3: memref<4096xi32, #tpu.memory_space<hbm>>, %arg4: memref<4096x32xf32, #tpu.memory_space<hbm>>, %arg5: memref<32x8192xf32, #tpu.memory_space<hbm>>, %arg6: memref<128xi32, #tpu.memory_space<vmem>>, %arg7: memref<128x32xf32, #tpu.memory_space<vmem>>, %arg8: memref<8192xf32, #tpu.memory_space<vmem>>, %arg9: memref<!tpu.dma_semaphore, #tpu.memory_space<semaphore_mem>>) attributes {dimension_semantics = [#tpu.dimension_semantics<core_parallel>, #tpu.dimension_semantics<subcore_parallel>], iteration_bounds = array<i64: 2, 16>, scalar_prefetch = 0 : i64, scratch_operands = 4 : i64, tpu.core_type = #tpu.core_type<sc_vector_subcore>, window_params = [{transform_indices = #map}, {transform_indices = #map1}, {transform_indices = #map}, {transform_indices = #map}]} {
    %mul3A = arith.constant 2 : i32
    %mul3A_0 = arith.muli %arg1, %mul3A : i32
    %add3A = arith.addi %mul3A_0, %arg0 : i32
    %mul3A_1 = arith.constant 128 : i32
    %mul3A_2 = arith.muli %add3A, %mul3A_1 : i32
    "tpu.region"() ({
      %run_scoped3A = tpu.sem_alloc : memref<!tpu.dma_semaphore, #tpu.memory_space<semaphore_mem>>
      %dma_start3A_19 = tpu.memref_slice %arg3[%mul3A_2] : memref<4096xi32, #tpu.memory_space<hbm>> -> memref<128xi32, #tpu.memory_space<hbm>>
      %dma_start3A_20 = tpu.memref_slice %arg3[%mul3A_2] : memref<4096xi32, #tpu.memory_space<hbm>> -> memref<128xi32, #tpu.memory_space<hbm>>
      tpu.enqueue_dma source(%dma_start3A_20 : memref<128xi32, #tpu.memory_space<hbm>>) target(%arg6 : memref<128xi32, #tpu.memory_space<vmem>>) target_semaphore(%run_scoped3A : memref<!tpu.dma_semaphore, #tpu.memory_space<semaphore_mem>>)
      %dma_wait3A_21 = tpu.memref_slice %arg3[%mul3A_2] : memref<4096xi32, #tpu.memory_space<hbm>> -> memref<128xi32, #tpu.memory_space<hbm>>
      %dma_wait3A_22 = tpu.memref_slice %arg3[%mul3A_2] : memref<4096xi32, #tpu.memory_space<hbm>> -> memref<128xi32, #tpu.memory_space<hbm>>
      tpu.wait_dma2 semaphore(%run_scoped3A : memref<!tpu.dma_semaphore, #tpu.memory_space<semaphore_mem>>) src(%dma_wait3A_22 : memref<128xi32, #tpu.memory_space<hbm>>) dst(%arg6 : memref<128xi32, #tpu.memory_space<vmem>>)
      tpu.yield
    }) : () -> ()
    %dma_start3A = arith.constant 0 : i32
    %dma_start3A_3 = arith.constant 0 : i32
    %dma_start3A_4 = tpu.memref_slice %arg2[%dma_start3A, %dma_start3A_3] : memref<8192x32xf32, #tpu.memory_space<hbm>> -> memref<8192x32xf32, #tpu.memory_space<hbm>>
    tpu.enqueue_indirect_dma source(%dma_start3A_4 : memref<8192x32xf32, #tpu.memory_space<hbm>>) target(%arg7 : memref<128x32xf32, #tpu.memory_space<vmem>>) offsets(%arg6 : memref<128xi32, #tpu.memory_space<vmem>>) semaphore(%arg9 : memref<!tpu.dma_semaphore, #tpu.memory_space<semaphore_mem>>)
    %broadcast_in_dim3A = arith.constant 0.000000e+00 : f32
    %broadcast_in_dim3A_5 = vector.broadcast %broadcast_in_dim3A : f32 to vector<16xf32>
    %scan3A = arith.constant 0 : i32
    %scan3A_6 = arith.constant 0 : i32
    %scan3A_7 = arith.constant 512 : i32
    %scan3A_8 = arith.addi %scan3A_6, %scan3A_7 : i32
    %scan3A_9 = arith.constant 8 : i32
    scf.for %scan3A_19 = %scan3A_6 to %scan3A_8 step %scan3A_9  : i32 {
      %mul3A_20 = arith.constant 16 : i32
      %mul3A_21 = arith.muli %scan3A_19, %mul3A_20 : i32
      %swap3A = arith.index_cast %mul3A_21 : i32 to index
      %swap3A_22 = tpu.vector_load %arg8[%swap3A] {strides = array<i32>} : memref<8192xf32, #tpu.memory_space<vmem>>, vector<16xf32>,
      tpu.vector_store %arg8[%swap3A], %broadcast_in_dim3A_5 {strides = array<i32>} : memref<8192xf32, #tpu.memory_space<vmem>>, vector<16xf32>,
      %scan3A_23 = arith.constant 1 : i32
      %scan3A_24 = arith.addi %scan3A_19, %scan3A_23 : i32
      %mul3A_25 = arith.constant 16 : i32
      %mul3A_26 = arith.muli %scan3A_24, %mul3A_25 : i32
      %swap3A_27 = arith.index_cast %mul3A_26 : i32 to index
      %swap3A_28 = tpu.vector_load %arg8[%swap3A_27] {strides = array<i32>} : memref<8192xf32, #tpu.memory_space<vmem>>, vector<16xf32>,
      tpu.vector_store %arg8[%swap3A_27], %broadcast_in_dim3A_5 {strides = array<i32>} : memref<8192xf32, #tpu.memory_space<vmem>>, vector<16xf32>,
      %scan3A_29 = arith.constant 2 : i32
      %scan3A_30 = arith.addi %scan3A_19, %scan3A_29 : i32
      %mul3A_31 = arith.constant 16 : i32
      %mul3A_32 = arith.muli %scan3A_30, %mul3A_31 : i32
      %swap3A_33 = arith.index_cast %mul3A_32 : i32 to index
      %swap3A_34 = tpu.vector_load %arg8[%swap3A_33] {strides = array<i32>} : memref<8192xf32, #tpu.memory_space<vmem>>, vector<16xf32>,
      tpu.vector_store %arg8[%swap3A_33], %broadcast_in_dim3A_5 {strides = array<i32>} : memref<8192xf32, #tpu.memory_space<vmem>>, vector<16xf32>,
      %scan3A_35 = arith.constant 3 : i32
      %scan3A_36 = arith.addi %scan3A_19, %scan3A_35 : i32
      %mul3A_37 = arith.constant 16 : i32
      %mul3A_38 = arith.muli %scan3A_36, %mul3A_37 : i32
      %swap3A_39 = arith.index_cast %mul3A_38 : i32 to index
      %swap3A_40 = tpu.vector_load %arg8[%swap3A_39] {strides = array<i32>} : memref<8192xf32, #tpu.memory_space<vmem>>, vector<16xf32>,
      tpu.vector_store %arg8[%swap3A_39], %broadcast_in_dim3A_5 {strides = array<i32>} : memref<8192xf32, #tpu.memory_space<vmem>>, vector<16xf32>,
      %scan3A_41 = arith.constant 4 : i32
      %scan3A_42 = arith.addi %scan3A_19, %scan3A_41 : i32
      %mul3A_43 = arith.constant 16 : i32
      %mul3A_44 = arith.muli %scan3A_42, %mul3A_43 : i32
      %swap3A_45 = arith.index_cast %mul3A_44 : i32 to index
      %swap3A_46 = tpu.vector_load %arg8[%swap3A_45] {strides = array<i32>} : memref<8192xf32, #tpu.memory_space<vmem>>, vector<16xf32>,
      tpu.vector_store %arg8[%swap3A_45], %broadcast_in_dim3A_5 {strides = array<i32>} : memref<8192xf32, #tpu.memory_space<vmem>>, vector<16xf32>,
      %scan3A_47 = arith.constant 5 : i32
      %scan3A_48 = arith.addi %scan3A_19, %scan3A_47 : i32
      %mul3A_49 = arith.constant 16 : i32
      %mul3A_50 = arith.muli %scan3A_48, %mul3A_49 : i32
      %swap3A_51 = arith.index_cast %mul3A_50 : i32 to index
      %swap3A_52 = tpu.vector_load %arg8[%swap3A_51] {strides = array<i32>} : memref<8192xf32, #tpu.memory_space<vmem>>, vector<16xf32>,
      tpu.vector_store %arg8[%swap3A_51], %broadcast_in_dim3A_5 {strides = array<i32>} : memref<8192xf32, #tpu.memory_space<vmem>>, vector<16xf32>,
      %scan3A_53 = arith.constant 6 : i32
      %scan3A_54 = arith.addi %scan3A_19, %scan3A_53 : i32
      %mul3A_55 = arith.constant 16 : i32
      %mul3A_56 = arith.muli %scan3A_54, %mul3A_55 : i32
      %swap3A_57 = arith.index_cast %mul3A_56 : i32 to index
      %swap3A_58 = tpu.vector_load %arg8[%swap3A_57] {strides = array<i32>} : memref<8192xf32, #tpu.memory_space<vmem>>, vector<16xf32>,
      tpu.vector_store %arg8[%swap3A_57], %broadcast_in_dim3A_5 {strides = array<i32>} : memref<8192xf32, #tpu.memory_space<vmem>>, vector<16xf32>,
      %scan3A_59 = arith.constant 7 : i32
      %scan3A_60 = arith.addi %scan3A_19, %scan3A_59 : i32
      %mul3A_61 = arith.constant 16 : i32
      %mul3A_62 = arith.muli %scan3A_60, %mul3A_61 : i32
      %swap3A_63 = arith.index_cast %mul3A_62 : i32 to index
      %swap3A_64 = tpu.vector_load %arg8[%swap3A_63] {strides = array<i32>} : memref<8192xf32, #tpu.memory_space<vmem>>, vector<16xf32>,
      tpu.vector_store %arg8[%swap3A_63], %broadcast_in_dim3A_5 {strides = array<i32>} : memref<8192xf32, #tpu.memory_space<vmem>>, vector<16xf32>,
    }
    %scan3A_10 = arith.constant 512 : i32
    %scan3A_11 = arith.constant 0 : i32
    %scan3A_12 = arith.constant 0 : i32
    %scan3A_13 = arith.constant 8 : i32
    %scan3A_14 = arith.addi %scan3A_12, %scan3A_13 : i32
    %scan3A_15 = arith.constant 4 : i32
    scf.for %scan3A_19 = %scan3A_12 to %scan3A_14 step %scan3A_15  : i32 {
      %mul3A_20 = arith.constant 16 : i32
      %mul3A_21 = arith.muli %scan3A_19, %mul3A_20 : i32
      %get3A = arith.index_cast %mul3A_21 : i32 to index
      %get3A_22 = tpu.vector_load %arg6[%get3A] {strides = array<i32>} : memref<128xi32, #tpu.memory_space<vmem>>, vector<16xi32>,
      %broadcast_in_dim3A_23 = arith.constant true
      %broadcast_in_dim3A_24 = vector.broadcast %broadcast_in_dim3A_23 : i1 to vector<16xi1>
      %unique3A, %unique3A_25 = tpu.scan_count mask(%broadcast_in_dim3A_24 : vector<16xi1>) value(%get3A_22 : vector<16xi32>) : vector<16xi1>, vector<16xi32>
      %convert_element_type3A = arith.sitofp %unique3A_25 : vector<16xi32> to vector<16xf32>
      tpu.vector_store_idx %arg8[%get3A_22], %convert_element_type3A masked %unique3A {add = true} : memref<8192xf32, #tpu.memory_space<vmem>>[vector<16xi32>], vector<16xf32>, vector<16xi1>
      %scan3A_26 = arith.constant 1 : i32
      %scan3A_27 = arith.addi %scan3A_19, %scan3A_26 : i32
      %mul3A_28 = arith.constant 16 : i32
      %mul3A_29 = arith.muli %scan3A_27, %mul3A_28 : i32
      %get3A_30 = arith.index_cast %mul3A_29 : i32 to index
      %get3A_31 = tpu.vector_load %arg6[%get3A_30] {strides = array<i32>} : memref<128xi32, #tpu.memory_space<vmem>>, vector<16xi32>,
      %broadcast_in_dim3A_32 = arith.constant true
      %broadcast_in_dim3A_33 = vector.broadcast %broadcast_in_dim3A_32 : i1 to vector<16xi1>
      %unique3A_34, %unique3A_35 = tpu.scan_count mask(%broadcast_in_dim3A_33 : vector<16xi1>) value(%get3A_31 : vector<16xi32>) : vector<16xi1>, vector<16xi32>
      %convert_element_type3A_36 = arith.sitofp %unique3A_35 : vector<16xi32> to vector<16xf32>
      tpu.vector_store_idx %arg8[%get3A_31], %convert_element_type3A_36 masked %unique3A_34 {add = true} : memref<8192xf32, #tpu.memory_space<vmem>>[vector<16xi32>], vector<16xf32>, vector<16xi1>
      %scan3A_37 = arith.constant 2 : i32
      %scan3A_38 = arith.addi %scan3A_19, %scan3A_37 : i32
      %mul3A_39 = arith.constant 16 : i32
      %mul3A_40 = arith.muli %scan3A_38, %mul3A_39 : i32
      %get3A_41 = arith.index_cast %mul3A_40 : i32 to index
      %get3A_42 = tpu.vector_load %arg6[%get3A_41] {strides = array<i32>} : memref<128xi32, #tpu.memory_space<vmem>>, vector<16xi32>,
      %broadcast_in_dim3A_43 = arith.constant true
      %broadcast_in_dim3A_44 = vector.broadcast %broadcast_in_dim3A_43 : i1 to vector<16xi1>
      %unique3A_45, %unique3A_46 = tpu.scan_count mask(%broadcast_in_dim3A_44 : vector<16xi1>) value(%get3A_42 : vector<16xi32>) : vector<16xi1>, vector<16xi32>
      %convert_element_type3A_47 = arith.sitofp %unique3A_46 : vector<16xi32> to vector<16xf32>
      tpu.vector_store_idx %arg8[%get3A_42], %convert_element_type3A_47 masked %unique3A_45 {add = true} : memref<8192xf32, #tpu.memory_space<vmem>>[vector<16xi32>], vector<16xf32>, vector<16xi1>
      %scan3A_48 = arith.constant 3 : i32
      %scan3A_49 = arith.addi %scan3A_19, %scan3A_48 : i32
      %mul3A_50 = arith.constant 16 : i32
      %mul3A_51 = arith.muli %scan3A_49, %mul3A_50 : i32
      %get3A_52 = arith.index_cast %mul3A_51 : i32 to index
      %get3A_53 = tpu.vector_load %arg6[%get3A_52] {strides = array<i32>} : memref<128xi32, #tpu.memory_space<vmem>>, vector<16xi32>,
      %broadcast_in_dim3A_54 = arith.constant true
      %broadcast_in_dim3A_55 = vector.broadcast %broadcast_in_dim3A_54 : i1 to vector<16xi1>
      %unique3A_56, %unique3A_57 = tpu.scan_count mask(%broadcast_in_dim3A_55 : vector<16xi1>) value(%get3A_53 : vector<16xi32>) : vector<16xi1>, vector<16xi32>
      %convert_element_type3A_58 = arith.sitofp %unique3A_57 : vector<16xi32> to vector<16xf32>
      tpu.vector_store_idx %arg8[%get3A_53], %convert_element_type3A_58 masked %unique3A_56 {add = true} : memref<8192xf32, #tpu.memory_space<vmem>>[vector<16xi32>], vector<16xf32>, vector<16xi1>
    }
    %scan3A_16 = arith.constant 8 : i32
    "tpu.region"() ({
      %run_scoped3A = tpu.sem_alloc : memref<!tpu.dma_semaphore, #tpu.memory_space<semaphore_mem>>
      %dma_start3A_19 = arith.constant 0 : i32
      %dma_start3A_20 = tpu.memref_slice %arg5[%add3A, %dma_start3A_19] : memref<32x8192xf32, #tpu.memory_space<hbm>> -> memref<1x8192xf32, #tpu.memory_space<hbm>>
      %dma_start3A_21 = tpu.memref_squeeze %dma_start3A_20 : memref<1x8192xf32, #tpu.memory_space<hbm>> -> memref<8192xf32, #tpu.memory_space<hbm>>
      %dma_start3A_22 = arith.constant 0 : i32
      %dma_start3A_23 = tpu.memref_slice %arg5[%add3A, %dma_start3A_22] : memref<32x8192xf32, #tpu.memory_space<hbm>> -> memref<1x8192xf32, #tpu.memory_space<hbm>>
      %dma_start3A_24 = tpu.memref_squeeze %dma_start3A_23 : memref<1x8192xf32, #tpu.memory_space<hbm>> -> memref<8192xf32, #tpu.memory_space<hbm>>
      tpu.enqueue_dma source(%arg8 : memref<8192xf32, #tpu.memory_space<vmem>>) target(%dma_start3A_24 : memref<8192xf32, #tpu.memory_space<hbm>>) target_semaphore(%run_scoped3A : memref<!tpu.dma_semaphore, #tpu.memory_space<semaphore_mem>>)
      %dma_wait3A_25 = arith.constant 0 : i32
      %dma_wait3A_26 = tpu.memref_slice %arg5[%add3A, %dma_wait3A_25] : memref<32x8192xf32, #tpu.memory_space<hbm>> -> memref<1x8192xf32, #tpu.memory_space<hbm>>
      %dma_wait3A_27 = tpu.memref_squeeze %dma_wait3A_26 : memref<1x8192xf32, #tpu.memory_space<hbm>> -> memref<8192xf32, #tpu.memory_space<hbm>>
      %dma_wait3A_28 = arith.constant 0 : i32
      %dma_wait3A_29 = tpu.memref_slice %arg5[%add3A, %dma_wait3A_28] : memref<32x8192xf32, #tpu.memory_space<hbm>> -> memref<1x8192xf32, #tpu.memory_space<hbm>>
      %dma_wait3A_30 = tpu.memref_squeeze %dma_wait3A_29 : memref<1x8192xf32, #tpu.memory_space<hbm>> -> memref<8192xf32, #tpu.memory_space<hbm>>
      tpu.wait_dma2 semaphore(%run_scoped3A : memref<!tpu.dma_semaphore, #tpu.memory_space<semaphore_mem>>) src(%arg8 : memref<8192xf32, #tpu.memory_space<vmem>>) dst(%dma_wait3A_30 : memref<8192xf32, #tpu.memory_space<hbm>>)
      tpu.yield
    }) : () -> ()
    %dma_wait3A = arith.constant 0 : i32
    %dma_wait3A_17 = arith.constant 0 : i32
    %dma_wait3A_18 = tpu.memref_slice %arg2[%dma_wait3A, %dma_wait3A_17] : memref<8192x32xf32, #tpu.memory_space<hbm>> -> memref<8192x32xf32, #tpu.memory_space<hbm>>
    tpu.wait_indirect_dma semaphore(%arg9 : memref<!tpu.dma_semaphore, #tpu.memory_space<semaphore_mem>>) src(%dma_wait3A_18 : memref<8192x32xf32, #tpu.memory_space<hbm>>) dst(%arg7 : memref<128x32xf32, #tpu.memory_space<vmem>>)
    "tpu.region"() ({
      %run_scoped3A = tpu.sem_alloc : memref<!tpu.dma_semaphore, #tpu.memory_space<semaphore_mem>>
      %dma_start3A_19 = arith.constant 0 : i32
      %dma_start3A_20 = tpu.memref_slice %arg4[%mul3A_2, %dma_start3A_19] : memref<4096x32xf32, #tpu.memory_space<hbm>> -> memref<128x32xf32, #tpu.memory_space<hbm>>
      %dma_start3A_21 = arith.constant 0 : i32
      %dma_start3A_22 = tpu.memref_slice %arg4[%mul3A_2, %dma_start3A_21] : memref<4096x32xf32, #tpu.memory_space<hbm>> -> memref<128x32xf32, #tpu.memory_space<hbm>>
      tpu.enqueue_dma source(%arg7 : memref<128x32xf32, #tpu.memory_space<vmem>>) target(%dma_start3A_22 : memref<128x32xf32, #tpu.memory_space<hbm>>) target_semaphore(%run_scoped3A : memref<!tpu.dma_semaphore, #tpu.memory_space<semaphore_mem>>)
      %dma_wait3A_23 = arith.constant 0 : i32
      %dma_wait3A_24 = tpu.memref_slice %arg4[%mul3A_2, %dma_wait3A_23] : memref<4096x32xf32, #tpu.memory_space<hbm>> -> memref<128x32xf32, #tpu.memory_space<hbm>>
      %dma_wait3A_25 = arith.constant 0 : i32
      %dma_wait3A_26 = tpu.memref_slice %arg4[%mul3A_2, %dma_wait3A_25] : memref<4096x32xf32, #tpu.memory_space<hbm>> -> memref<128x32xf32, #tpu.memory_space<hbm>>
      tpu.wait_dma2 semaphore(%run_scoped3A : memref<!tpu.dma_semaphore, #tpu.memory_space<semaphore_mem>>) src(%arg7 : memref<128x32xf32, #tpu.memory_space<vmem>>) dst(%dma_wait3A_26 : memref<128x32xf32, #tpu.memory_space<hbm>>)
      tpu.yield
    }) : () -> ()
    return
  }
}

module attributes {stable_mosaic.version = 14 : i64} {
  func.func @_vq_body(%arg0: i32, %arg1: memref<512x32xf32, #tpu.memory_space<vmem>>, %arg2: memref<32x8192xf32, #tpu.memory_space<vmem>>, %arg3: memref<512x1xi32, #tpu.memory_space<vmem>>, %arg4: memref<1x1xf32, #tpu.memory_space<vmem>>) attributes {dimension_semantics = [#tpu.dimension_semantics<arbitrary>], iteration_bounds = array<i64: 8>, scalar_prefetch = 0 : i64, scratch_operands = 0 : i64, tpu.core_type = #tpu.core_type<tc>, window_params = [{transform_indices = @transform_0, window_bounds = array<i64: 512, 32>}, {pipeline_mode = #tpu.pipeline_mode<synchronous>, transform_indices = @transform_1, window_bounds = array<i64: 32, 8192>}, {transform_indices = @transform_2, window_bounds = array<i64: 512, 1>}, {pipeline_mode = #tpu.pipeline_mode<synchronous>, transform_indices = @transform_3, window_bounds = array<i64: 1, 1>}]} {
    %get3A = arith.constant 0 : index
    %get3A_0 = arith.constant 0 : index
    %get3A_1 = vector.load %arg1[%get3A, %get3A_0] : memref<512x32xf32, #tpu.memory_space<vmem>>, vector<512x32xf32>
    %get3A_2 = arith.constant 0 : index
    %get3A_3 = arith.constant 0 : index
    %get3A_4 = vector.load %arg2[%get3A_2, %get3A_3] : memref<32x8192xf32, #tpu.memory_space<vmem>>, vector<32x8192xf32>
    %mul3A = arith.constant 2.000000e+00 : f32
    %mul3A_5 = vector.broadcast %mul3A : f32 to vector<32x8192xf32>
    %mul3A_6 = arith.mulf %get3A_4, %mul3A_5 : vector<32x8192xf32>
    %dot_general3A = arith.constant dense<0.000000e+00> : vector<512x8192xf32>
    %dot_general3A_7 = tpu.matmul %get3A_1, %mul3A_6, %dot_general3A {dimension_numbers = #tpu.dot_dimension_numbers<[1], [0], [0], [1], [0, 0, 1, 1], [], []>, transpose_lhs_hint = false} : vector<512x32xf32>, vector<32x8192xf32>, vector<512x8192xf32> -> vector<512x8192xf32>
    %mul3A_8 = arith.mulf %get3A_1, %get3A_1 : vector<512x32xf32>
    %reduce_sum3A = arith.constant dense<0.000000e+00> : vector<512xf32>
    %reduce_sum3A_9 = vector.multi_reduction <add>, %mul3A_8, %reduce_sum3A [1] : vector<512x32xf32> to vector<512xf32>
    %broadcast_in_dim3A = vector.shape_cast %reduce_sum3A_9 : vector<512xf32> to vector<512x1xf32>
    %mul3A_10 = arith.mulf %get3A_4, %get3A_4 : vector<32x8192xf32>
    %reduce_sum3A_11 = arith.constant dense<0.000000e+00> : vector<8192xf32>
    %reduce_sum3A_12 = vector.multi_reduction <add>, %mul3A_10, %reduce_sum3A_11 [0] : vector<32x8192xf32> to vector<8192xf32>
    %broadcast_in_dim3A_13 = vector.shape_cast %reduce_sum3A_12 : vector<8192xf32> to vector<1x8192xf32>
    %add3A = vector.broadcast %broadcast_in_dim3A : vector<512x1xf32> to vector<512x8192xf32>
    %add3A_14 = vector.broadcast %broadcast_in_dim3A_13 : vector<1x8192xf32> to vector<512x8192xf32>
    %add3A_15 = arith.addf %add3A, %add3A_14 : vector<512x8192xf32>
    %sub3A = arith.subf %add3A_15, %dot_general3A_7 : vector<512x8192xf32>
    %slice3A = vector.extract_strided_slice %sub3A {offsets = [0, 0], sizes = [512, 4096], strides = [1, 1]} : vector<512x8192xf32> to vector<512x4096xf32>
    %slice3A_16 = vector.extract_strided_slice %sub3A {offsets = [0, 4096], sizes = [512, 4096], strides = [1, 1]} : vector<512x8192xf32> to vector<512x4096xf32>
    %iota3A = tpu.iota {dimensions = array<i32: 1>} : vector<512x4096xi32>
    %reduce_min3A = arith.constant dense<0x7F800000> : vector<512xf32>
    %reduce_min3A_17 = vector.multi_reduction <minimumf>, %slice3A, %reduce_min3A [1] : vector<512x4096xf32> to vector<512xf32>
    %broadcast_in_dim3A_18 = vector.shape_cast %reduce_min3A_17 : vector<512xf32> to vector<512x1xf32>
    %eq3A = vector.broadcast %broadcast_in_dim3A_18 : vector<512x1xf32> to vector<512x4096xf32>
    %eq3A_19 = arith.cmpf oeq, %slice3A, %eq3A : vector<512x4096xf32>
    %jit3A = arith.constant 8192 : i32
    %broadcast_in_dim3A_20 = vector.broadcast %jit3A : i32 to vector<512x4096xi32>
    %select_n3A = arith.select %eq3A_19, %iota3A, %broadcast_in_dim3A_20 : vector<512x4096xi1>, vector<512x4096xi32>
    %reduce_min3A_21 = arith.constant dense<2147483647> : vector<512xi32>
    %reduce_min3A_22 = vector.multi_reduction <minsi>, %select_n3A, %reduce_min3A_21 [1] : vector<512x4096xi32> to vector<512xi32>
    %broadcast_in_dim3A_23 = vector.shape_cast %reduce_min3A_22 : vector<512xi32> to vector<512x1xi32>
    %reduce_min3A_24 = arith.constant dense<0x7F800000> : vector<512xf32>
    %reduce_min3A_25 = vector.multi_reduction <minimumf>, %slice3A_16, %reduce_min3A_24 [1] : vector<512x4096xf32> to vector<512xf32>
    %broadcast_in_dim3A_26 = vector.shape_cast %reduce_min3A_25 : vector<512xf32> to vector<512x1xf32>
    %eq3A_27 = vector.broadcast %broadcast_in_dim3A_26 : vector<512x1xf32> to vector<512x4096xf32>
    %eq3A_28 = arith.cmpf oeq, %slice3A_16, %eq3A_27 : vector<512x4096xf32>
    %add3A_29 = arith.constant 4096 : i32
    %add3A_30 = vector.broadcast %add3A_29 : i32 to vector<512x4096xi32>
    %add3A_31 = arith.addi %iota3A, %add3A_30 : vector<512x4096xi32>
    %jit3A_32 = arith.constant 8192 : i32
    %broadcast_in_dim3A_33 = vector.broadcast %jit3A_32 : i32 to vector<512x4096xi32>
    %select_n3A_34 = arith.select %eq3A_28, %add3A_31, %broadcast_in_dim3A_33 : vector<512x4096xi1>, vector<512x4096xi32>
    %reduce_min3A_35 = arith.constant dense<2147483647> : vector<512xi32>
    %reduce_min3A_36 = vector.multi_reduction <minsi>, %select_n3A_34, %reduce_min3A_35 [1] : vector<512x4096xi32> to vector<512xi32>
    %broadcast_in_dim3A_37 = vector.shape_cast %reduce_min3A_36 : vector<512xi32> to vector<512x1xi32>
    %convert_element_type3A = arith.truncf %broadcast_in_dim3A_18 : vector<512x1xf32> to vector<512x1xbf16>
    %convert_element_type3A_38 = arith.extf %convert_element_type3A : vector<512x1xbf16> to vector<512x1xf32>
    %lt3A = arith.cmpf olt, %broadcast_in_dim3A_26, %convert_element_type3A_38 : vector<512x1xf32>
    %select_n3A_39 = arith.select %lt3A, %broadcast_in_dim3A_37, %broadcast_in_dim3A_23 : vector<512x1xi1>, vector<512x1xi32>
    %select_n3A_40 = arith.select %lt3A, %broadcast_in_dim3A_26, %broadcast_in_dim3A_18 : vector<512x1xi1>, vector<512x1xf32>
    %swap3A = arith.constant 0 : index
    %swap3A_41 = arith.constant 0 : index
    %swap3A_42 = vector.load %arg3[%swap3A, %swap3A_41] : memref<512x1xi32, #tpu.memory_space<vmem>>, vector<512x1xi32>
    tpu.vector_store %arg3[%swap3A, %swap3A_41], %select_n3A_39 {strides = array<i32>} : memref<512x1xi32, #tpu.memory_space<vmem>>, vector<512x1xi32>,
    %reduce_sum3A_43 = vector.shape_cast %select_n3A_40 : vector<512x1xf32> to vector<1x512x1xf32>
    %reduce_sum3A_44 = arith.constant dense<0.000000e+00> : vector<1xf32>
    %reduce_sum3A_45 = vector.multi_reduction <add>, %reduce_sum3A_43, %reduce_sum3A_44 [1, 2] : vector<1x512x1xf32> to vector<1xf32>
    %reduce_sum3A_46 = vector.shape_cast %reduce_sum3A_45 : vector<1xf32> to vector<1x1x1xf32>
    %reduce_sum3A_47 = vector.extract %reduce_sum3A_46[0, 0, 0] : f32 from vector<1x1x1xf32>
    %reshape3A = vector.broadcast %reduce_sum3A_47 : f32 to vector<1x1xf32>
    %eq3A_48 = arith.constant 0 : i32
    %eq3A_49 = arith.cmpi eq, %arg0, %eq3A_48 : i32
    %convert_element_type3A_50 = arith.extui %eq3A_49 : i1 to i32
    %cond3A = arith.constant 0 : i32
    %cond3A_51 = arith.cmpi ne, %convert_element_type3A_50, %cond3A : i32
    scf.if %cond3A_51 {
      %swap3A_56 = arith.constant 0 : index
      %swap3A_57 = arith.constant 0 : index
      %swap3A_58 = vector.load %arg4[%swap3A_56, %swap3A_57] : memref<1x1xf32, #tpu.memory_space<vmem>>, vector<1x1xf32>
      tpu.vector_store %arg4[%swap3A_56, %swap3A_57], %reshape3A {strides = array<i32>} : memref<1x1xf32, #tpu.memory_space<vmem>>, vector<1x1xf32>,
    } else {
    }
    %gt3A = arith.constant 0 : i32
    %gt3A_52 = arith.cmpi sgt, %arg0, %gt3A : i32
    %convert_element_type3A_53 = arith.extui %gt3A_52 : i1 to i32
    %cond3A_54 = arith.constant 0 : i32
    %cond3A_55 = arith.cmpi ne, %convert_element_type3A_53, %cond3A_54 : i32
    scf.if %cond3A_55 {
      %get3A_56 = arith.constant 0 : index
      %get3A_57 = arith.constant 0 : index
      %get3A_58 = vector.load %arg4[%get3A_56, %get3A_57] : memref<1x1xf32, #tpu.memory_space<vmem>>, vector<1x1xf32>
      %add3A_59 = arith.addf %get3A_58, %reshape3A : vector<1x1xf32>
      %swap3A_60 = arith.constant 0 : index
      %swap3A_61 = arith.constant 0 : index
      %swap3A_62 = vector.load %arg4[%swap3A_60, %swap3A_61] : memref<1x1xf32, #tpu.memory_space<vmem>>, vector<1x1xf32>
      tpu.vector_store %arg4[%swap3A_60, %swap3A_61], %add3A_59 {strides = array<i32>} : memref<1x1xf32, #tpu.memory_space<vmem>>, vector<1x1xf32>,
    } else {
    }
    return
  }
  func.func @transform_0(%arg0: i32) -> (i32, i32) {
    %c0_i32 = arith.constant 0 : i32
    %c0_i32_0 = arith.constant 0 : i32
    return %arg0, %c0_i32 : i32, i32
  }
  func.func @transform_1(%arg0: i32) -> (i32, i32) {
    %c0_i32 = arith.constant 0 : i32
    %c0_i32_0 = arith.constant 0 : i32
    %c0_i32_1 = arith.constant 0 : i32
    return %c0_i32, %c0_i32_0 : i32, i32
  }
  func.func @transform_2(%arg0: i32) -> (i32, i32) {
    %c0_i32 = arith.constant 0 : i32
    %c0_i32_0 = arith.constant 0 : i32
    return %arg0, %c0_i32 : i32, i32
  }
  func.func @transform_3(%arg0: i32) -> (i32, i32) {
    %c0_i32 = arith.constant 0 : i32
    %c0_i32_0 = arith.constant 0 : i32
    %c0_i32_1 = arith.constant 0 : i32
    return %c0_i32, %c0_i32_0 : i32, i32
  }
}

module attributes {stable_mosaic.version = 14 : i64} {
  func.func @_final_body(%arg0: memref<32x8192xf32, #tpu.memory_space<vmem>>, %arg1: memref<32x8192xf32, #tpu.memory_space<vmem>>, %arg2: memref<1x1xf32, #tpu.memory_space<vmem>>, %arg3: memref<1x1xf32, #tpu.memory_space<vmem>>, %arg4: memref<1x1xf32, #tpu.memory_space<vmem>>, %arg5: memref<1x1xf32, #tpu.memory_space<vmem>>) attributes {dimension_semantics = [], scalar_prefetch = 0 : i64, scratch_operands = 0 : i64, tpu.core_type = #tpu.core_type<tc>} {
    %get3A = arith.constant 0 : index
    %get3A_0 = arith.constant 0 : index
    %get3A_1 = vector.load %arg0[%get3A, %get3A_0] : memref<32x8192xf32, #tpu.memory_space<vmem>>, vector<32x8192xf32>
    %reduce_sum3A = arith.constant dense<0.000000e+00> : vector<8192xf32>
    %reduce_sum3A_2 = vector.multi_reduction <add>, %get3A_1, %reduce_sum3A [0] : vector<32x8192xf32> to vector<8192xf32>
    %broadcast_in_dim3A = vector.shape_cast %reduce_sum3A_2 : vector<8192xf32> to vector<1x8192xf32>
    %get3A_3 = arith.constant 0 : index
    %get3A_4 = arith.constant 0 : index
    %get3A_5 = vector.load %arg1[%get3A_3, %get3A_4] : memref<32x8192xf32, #tpu.memory_space<vmem>>, vector<32x8192xf32>
    %reduce_sum3A_6 = arith.constant dense<0.000000e+00> : vector<8192xf32>
    %reduce_sum3A_7 = vector.multi_reduction <add>, %get3A_5, %reduce_sum3A_6 [0] : vector<32x8192xf32> to vector<8192xf32>
    %broadcast_in_dim3A_8 = vector.shape_cast %reduce_sum3A_7 : vector<8192xf32> to vector<1x8192xf32>
    %add3A = arith.addf %broadcast_in_dim3A, %broadcast_in_dim3A_8 : vector<1x8192xf32>
    %mul3A = arith.constant 1.22070313E-4 : f32
    %mul3A_9 = vector.broadcast %mul3A : f32 to vector<1x8192xf32>
    %mul3A_10 = arith.mulf %add3A, %mul3A_9 : vector<1x8192xf32>
    %add3A_11 = arith.constant 1.000000e-10 : f32
    %add3A_12 = vector.broadcast %add3A_11 : f32 to vector<1x8192xf32>
    %add3A_13 = arith.addf %mul3A_10, %add3A_12 : vector<1x8192xf32>
    %log3A = math.log %add3A_13 : vector<1x8192xf32>
    %mul3A_14 = arith.mulf %mul3A_10, %log3A : vector<1x8192xf32>
    %reduce_sum3A_15 = vector.shape_cast %mul3A_14 : vector<1x8192xf32> to vector<1x1x8192xf32>
    %reduce_sum3A_16 = arith.constant dense<0.000000e+00> : vector<1xf32>
    %reduce_sum3A_17 = vector.multi_reduction <add>, %reduce_sum3A_15, %reduce_sum3A_16 [1, 2] : vector<1x1x8192xf32> to vector<1xf32>
    %reduce_sum3A_18 = vector.shape_cast %reduce_sum3A_17 : vector<1xf32> to vector<1x1x1xf32>
    %reduce_sum3A_19 = vector.extract %reduce_sum3A_18[0, 0, 0] : f32 from vector<1x1x1xf32>
    %neg3A = arith.constant 0.000000e+00 : f32
    %neg3A_20 = arith.subf %neg3A, %reduce_sum3A_19 : f32
    %exp3A = math.exp %neg3A_20 : f32
    %reshape3A = vector.broadcast %exp3A : f32 to vector<1x1xf32>
    %swap3A = arith.constant 0 : index
    %swap3A_21 = arith.constant 0 : index
    %swap3A_22 = vector.load %arg4[%swap3A, %swap3A_21] : memref<1x1xf32, #tpu.memory_space<vmem>>, vector<1x1xf32>
    tpu.vector_store %arg4[%swap3A, %swap3A_21], %reshape3A {strides = array<i32>} : memref<1x1xf32, #tpu.memory_space<vmem>>, vector<1x1xf32>,
    %get3A_23 = arith.constant 0 : index
    %get3A_24 = arith.constant 0 : index
    %get3A_25 = vector.load %arg2[%get3A_23, %get3A_24] : memref<1x1xf32, #tpu.memory_space<vmem>>, vector<1x1xf32>
    %get3A_26 = arith.constant 0 : index
    %get3A_27 = arith.constant 0 : index
    %get3A_28 = vector.load %arg3[%get3A_26, %get3A_27] : memref<1x1xf32, #tpu.memory_space<vmem>>, vector<1x1xf32>
    %add3A_29 = arith.addf %get3A_25, %get3A_28 : vector<1x1xf32>
    %mul3A_30 = arith.constant 3.81469727E-6 : f32
    %mul3A_31 = vector.broadcast %mul3A_30 : f32 to vector<1x1xf32>
    %mul3A_32 = arith.mulf %add3A_29, %mul3A_31 : vector<1x1xf32>
    %swap3A_33 = arith.constant 0 : index
    %swap3A_34 = arith.constant 0 : index
    %swap3A_35 = vector.load %arg5[%swap3A_33, %swap3A_34] : memref<1x1xf32, #tpu.memory_space<vmem>>, vector<1x1xf32>
    tpu.vector_store %arg5[%swap3A_33, %swap3A_34], %mul3A_32 {strides = array<i32>} : memref<1x1xf32, #tpu.memory_space<vmem>>, vector<1x1xf32>,
    return
  }
}

</mosaic_0001>

<sc_bundles>
// kernel: kernel.10.cloned.1.call-start
scs
__scs_entry_jumppad:
0x0: {  	(pc) =	sbr.rel $0x88, $3  }
0x1: {  	(tag) =	ssettag $0x0;
	lr =	simm.s32 $0x1  }
0x2: {  	[smem:$0x3F9F] =	sst lr;
	_ =	strace $0xD0000000  }
0x3: {  	_ = 	snop  }
0x4: {  	_ = 	snop  }
0x5: {  	_ = 	snop  }
0x6: {  	_ = 	snop  }
0x7: {  	_ = 	snop  }
__scs_overlays_trampoline_lowered:
0x8: {  	[smem:$0x3FAE] =	sst s0  }
0x9: {  	[smem:$0x3FAF] =	sst s1  }
0xa: {  	[smem:$0x3FB0] =	sst s2  }
0xb: {  	[smem:$0x3FB1] =	sst s3  }
0xc: {  	[smem:$0x3FB2] =	sst s4  }
0xd: {  	[smem:$0x3FB3] =	sst s5  }
0xe: {  	[smem:$0x3FB4] =	sst s6  }
0xf: {  	[smem:$0x3FB5] =	sst s7  }
0x10: {  	[smem:$0x3FB6] =	sst s8  }
0x11: {  	[smem:$0x3FB7] =	sst s9;
	s0 =	simm.s32 @!p0 $0x0  }
0x12: {  	s1 =	sld [smem:$0x3F9D];
	s0 =	simm.s32 @p0 $0x1  }
0x13: {  	[smem:$0x3FB8] =	sst s0;
	s0 =	simm.s32 @!p1 $0x0  }
0x14: {  	s2 =	sld [smem:$0x3F9C];
	s0 =	simm.s32 @p1 $0x1  }
0x15: {  	[smem:$0x3FB9] =	sst s0;
	s0 =	simm.s32 @!p2 $0x0  }
0x16: {  	s3 =	sld [smem:$0x3FDB];
	s0 =	simm.s32 @p2 $0x1  }
0x17: {  	s4 =	simm.s32 $0x1BF5;
	[smem:$0x3FBB] =	sst s0  }
0x18: {  	s0 =	sld [smem:$0x3F9E];
	_ =	swait.ge [sflag:s4], $0x0  }
0x19: {  	s7 =	sld [smem:$0x3F9F]  }
0x1a: {  	s8 =	sadd.s32 $0xFFFFE003, lr  }
0x1b: {  	s9 =	sadd.s32 $0xFFFFFEF7, lr;
	s5 =	simm.s32 $0xFFFFFFFF;
	p2 =	slt.u32 s8, $0xFFFFF086  }
0x1c: {  	p1 =	slt.u32 s9, $0xF7A;
	s5 =	simm.s32 @!p2 $0x0  }
0x1d: {  	s5 =	simm.s32 @p1 $0x1;
	p0 =	seq.s32 s7, s2  }
0x1e: {  	s7 =	smul.u32 @!p0 $0xF7A, s2;
	p2 =	seq.s32 @!p0 s5, $0x0  }
0x1f: {  	s9 =	smul.u32 $0xF7A, s1;
	s8 =	simm.s32 @!p0 $0x1BF5;
	p2 =	por !p2, p0  }
0x20: {  	[sflag:s8] =	ssyncset.s32 @!p0 $0xFFFFF086;
	s6 =	sadd.s32 @!p0 s3, s7;
	s7 =	simm.s32 @!p0 $0x108  }
0x21: {  	s3 =	sadd.s32 s3, s9;
	s6 =	sadd.s32 @!p0 $0x88, s6;
	s7 =	simm.s32 @p2 $0x1082  }
0x22: {  	[simem:s7], [sflag:s8] =	dma.local @!p0 [hbm:s6], $0xF7A  }
0x23: {  	s9 =	sor.u32 $0xD0000000, s2;
	s6 =	simm.s32 $0x108;
	_ =	swait.ge @!p0 [sflag:s8], $0x0  }
0x24: {  	s3 =	sadd.s32 $0x88, s3;
	s6 =	simm.s32 @!p1 $0x1082;
	[sflag:s4] =	ssyncset.s32 $0xFFFFF086  }
0x25: {  	[simem:s6], [sflag:s4] =	dma.local [hbm:s3], $0xF7A  }
0x26: {  	[smem:$0x3F9F] =	sst s1;
	(tag) =	ssettag s2;
	_ =	strace s9  }
0x27: {  	s1 =	sld [smem:$0x3FAF]  }
0x28: {  	s2 =	sld [smem:$0x3FB0]  }
0x29: {  	s4 =	sld [smem:$0x3FB2]  }
0x2a: {  	p0 =	seq.s32 s5, $0x0;
	s5 =	sld [smem:$0x3FB3]  }
0x2b: {  	s6 =	sld [smem:$0x3FB4]  }
0x2c: {  	s7 =	sld [smem:$0x3FB5]  }
0x2d: {  	s3 =	simm.s32 $0x108;
	s8 =	sld [smem:$0x3FB6]  }
0x2e: {  	s3 =	simm.s32 @!p0 $0x1082;
	s9 =	sld [smem:$0x3FB7]  }
0x2f: {  	lr =	sadd.s32 s0, s3;
	s0 =	sld [smem:$0x3FAE]  }
0x30: {  	s3 =	sld [smem:$0x3FB1]  }
0x31: {  	[smem:$0x3FBA] =	sst s10  }
0x32: {  	s10 =	sld [smem:$0x3FB8];
	_ =	sdelay $0x3  }
0x33: {  	p0 =	seq.s32 s10, $0x1;
	s10 =	sld [smem:$0x3FBA];
	_ =	sdelay $0x3  }
0x34: {  	[smem:$0x3FBA] =	sst s10  }
0x35: {  	s10 =	sld [smem:$0x3FB9];
	_ =	sdelay $0x3  }
0x36: {  	p1 =	seq.s32 s10, $0x1;
	s10 =	sld [smem:$0x3FBA];
	_ =	sdelay $0x3  }
0x37: {  	[smem:$0x3FBA] =	sst s10  }
0x38: {  	s10 =	sld [smem:$0x3FBB]  }
0x39: {  	_ = 	snop;
	(pc) =	sbr.ind lr, $3  }
0x3a: {  	_ = 	snop  }
0x3b: {  	_ = 	snop  }
0x3c: {  	p2 =	seq.s32 s10, $0x1;
	s10 =	sld [smem:$0x3FBA]  }
0x3d: {  	_ =	shalt  }
0x3e: {  	_ =	shalt  }
0x3f: {  	_ =	shalt  }
0x40: {  	_ =	shalt  }
0x41: {  	_ =	shalt  }
0x42: {  	_ =	shalt  }
0x43: {  	_ =	shalt  }
0x44: {  	_ =	shalt  }
0x45: {  	_ =	shalt  }
0x46: {  	_ =	shalt  }
0x47: {  	_ =	shalt  }
0x48: {  	_ =	shalt  }
0x49: {  	_ =	shalt  }
0x4a: {  	_ =	shalt  }
0x4b: {  	_ =	shalt  }
0x4c: {  	_ =	shalt  }
0x4d: {  	_ =	shalt  }
0x4e: {  	_ =	shalt  }
0x4f: {  	_ =	shalt  }
0x50: {  	_ =	shalt  }
0x51: {  	_ =	shalt  }
0x52: {  	_ =	shalt  }
0x53: {  	_ =	shalt  }
0x54: {  	_ =	shalt  }
0x55: {  	_ =	shalt  }
0x56: {  	_ =	shalt  }
0x57: {  	_ =	shalt  }
0x58: {  	_ =	shalt  }
0x59: {  	_ =	shalt  }
0x5a: {  	_ =	shalt  }
0x5b: {  	_ =	shalt  }
0x5c: {  	_ =	shalt  }
0x5d: {  	_ =	shalt  }
0x5e: {  	_ =	shalt  }
0x5f: {  	_ =	shalt  }
0x60: {  	_ =	shalt  }
0x61: {  	_ =	shalt  }
0x62: {  	_ =	shalt  }
0x63: {  	_ =	shalt  }
0x64: {  	_ =	shalt  }
0x65: {  	_ =	shalt  }
0x66: {  	_ =	shalt  }
0x67: {  	_ =	shalt  }
0x68: {  	_ =	shalt  }
0x69: {  	_ =	shalt  }
0x6a: {  	_ =	shalt  }
0x6b: {  	_ =	shalt  }
0x6c: {  	_ =	shalt  }
0x6d: {  	_ =	shalt  }
0x6e: {  	_ =	shalt  }
0x6f: {  	_ =	shalt  }
0x70: {  	_ =	shalt  }
0x71: {  	_ =	shalt  }
0x72: {  	_ =	shalt  }
0x73: {  	_ =	shalt  }
0x74: {  	_ =	shalt  }
0x75: {  	_ =	shalt  }
0x76: {  	_ =	shalt  }
0x77: {  	_ =	shalt  }
0x78: {  	_ =	shalt  }
0x79: {  	_ =	shalt  }
0x7a: {  	_ =	shalt  }
0x7b: {  	_ =	shalt  }
0x7c: {  	_ =	shalt  }
0x7d: {  	_ =	shalt  }
0x7e: {  	_ =	shalt  }
0x7f: {  	_ =	shalt  }
0x80: {  	_ =	shalt  }
0x81: {  	_ =	shalt  }
0x82: {  	_ =	shalt  }
0x83: {  	_ =	shalt  }
0x84: {  	_ =	shalt  }
0x85: {  	_ =	shalt  }
0x86: {  	_ =	shalt  }
0x87: {  	_ =	shalt  }
.Lfunc_end0:
.L_simem_size_0:
called_computation.1_lowered:
.L_overlay_start_0:
0x88: {  	s2 =	sld [smem:$0x3FD9]  }
0x89: {  	s3 =	sld [smem:$0x3FFE];
	_ =	sdelay $0x1  }
0x8a: {  	s1 =	srdreg.scid  }
0x8b: {  	s0 =	sand.u32 $0x1, s1  }
0x8c: {  	s14 =	sshll.u32 s0, $0xA;
	s2 =	sadd.s32 s3, s2  }
0x8d: {  	s2 =	sadd.s32 s2, s14  }
0x8e: {  	[smem:$0x3FC6] =	sst s2  }
0x8f: {  	_ = 	snop  }
0x90: {  	s2 =	sld [smem:$0x3FD0];
	_ =	sdelay $0x2  }
0x91: {  	s15 =	simm.s32 $0xB;
	s4 =	simm.s32 $0x10  }
0x92: {  	[smem:s4], [sflag:s15] =	dma.local [hbm:s2], $0x1  }
0x93: {  	_ =	swait.eq [sflag:s15], $0x1  }
0x94: {  	[sflag:s15] =	ssyncset.done $0x0  }
0x95: {  	[sflag:s15] =	ssyncadd.s32 $0xFFFFFFFF  }
0x96: {  	s16 =	sld [smem:$0x10];
	(tm) =	ssettm $0x1  }
0x97: {  	s17 =	sld [smem:$0x3FFB];
	_ =	sdelay $0x3  }
0x98: {  	_ =	strace s17  }
0x99: {  	s3 =	sld [smem:$0x3FFC];
	_ =	sdelay $0x3  }
0x9a: {  	_ =	strace s3  }
0x9b: {  	s3 =	sld [smem:$0x3FFD];
	_ =	sdelay $0x3  }
0x9c: {  	_ =	strace s3  }
0x9d: {  	_ =	strace $0x8FFFFFFF  }
0x9e: {  	s18 =	sld [smem:$0x3FDB];
	_ =	sdelay $0x1  }
0x9f: {  	s19 =	simm.s32 $_scs_section_size  }
0xa0: {  	s5 =	simm.s32 $_size__tile_overlayer_lowered;
	s6 =	simm.s32 $_tile_overlayer_lowered  }
0xa1: {  	s22 =	simm.s32 $0x1BFF;
	s21 =	sshll.u32 s6, $0x1;
	s3 =	sadd.s32 s19, s18  }
0xa2: {  	s7 =	simm.s32 $0x0;
	s20 =	sshll.u32 s5, $0x1;
	s5 =	sadd.s32 s21, s3  }
0xa3: {  	[timem:s7], [sflag:s22] =	dma.local [hbm:s5], s20  }
0xa4: {  	_ =	swait.ge [sflag:s22], s20  }
0xa5: {  	s4 =	ssub.s32 $0x0, s20;
	[sflag:s22] =	ssyncset.done $0x0  }
0xa6: {  	[sflag:s22] =	ssyncadd.s32 s4;
	_ =	sdelay $0x1  }
0xa7: {  	s23 =	simm.s32 $0x1B8B  }
0xa8: {  	_ =	swait.ge [sflag:s23], $0x1  }
0xa9: {  	[sflag:s23] =	ssyncset.done $0x0  }
0xaa: {  	s25 =	simm.s32 $0x1B8E;
	s24 =	sld [smem:$0x3FFE];
	[sflag:s23] =	ssyncadd.s32 $0xFFFFFFFF  }
0xab: {  	s26 =	simm.s32 $execute0_lowered;
	[smem:$0x3FD2] =	sst s25  }
0xac: {  	s5 =	sshll.u32 s26, $0x1;
	_ =	strace $0x80000046;
	[dreg:$0x1] =	wrdreg $0xFFFFFFFF  }
0xad: {  	s28 =	simm.s32 $_size_execute0_lowered;
	s3 =	sadd.s32 s3, s5;
	[dreg:$0x0] =	wrdreg $0x0  }
0xae: {  	s5 =	sshll.u32 s28, $0x1;
	[dreg:$0x2] =	wrdreg s3  }
0xaf: {  	[dreg:$0x3] =	wrdreg s5  }
0xb0: {  	[dreg:$0x4] =	wrdreg $0xC0  }
0xb1: {  	_ =	task [dreg:s7], $0x5FFFF  }
0xb2: {  	[dreg:$0x1] =	wrdreg $0xFFFFFFFF  }
0xb3: {  	[dreg:$0x0] =	wrdreg $0x60  }
0xb4: {  	[dreg:$0x2] =	wrdreg s16  }
0xb5: {  	[dreg:$0x3] =	wrdreg s24  }
0xb6: {  	[dreg:$0x4] =	wrdreg $0xA  }
0xb7: {  	_ =	task.clear_ibuf [dreg:s7], $0x5FFFF;
	_ =	strace $0x90000046  }
0xb8: {  	s29 =	simm.s32 $0xA;
	_ =	strace $0x80000048  }
0xb9: {  	_ =	swait.ge [sflag:s29], $0x1  }
0xba: {  	[sflag:s29] =	ssyncadd.s32 $0xFFFFFFFF  }
0xbb: {  	_ =	strace $0x90000048  }
0xbc: {  	_ =	sfence  }
0xbd: {  	s30 =	sld [smem:$0x0];
	_ =	sdelay $0x2  }
0xbe: {  	s31 =	sshll.u32 s1, $0xD;
	s1 =	sshrl.u32 s1, $0x2  }
0xbf: {  	s3 =	sand.u32 $0x4000, s31;
	s1 =	sadd.s32 s1, s30  }
0xc0: {  	s0 =	sor.u32 s3, s0;
	s1 =	sshll.u32 s1, $0x11  }
0xc1: {  	s0 =	sor.u32 s1, s0  }
0xc2: {  	s0 =	sadd.s32 $0x8F2B, s0  }
0xc3: {  	[sflag:s0] =	ssyncadd.remote.s32 $0x1  }
0xc4: {  	_ =	sfence.sel $0xFFFF  }
0xc5: {  	[dreg:$0x0] =	wrdreg $0xFFFFFFFF;
	(pc) =	sbr.abs _section_cstart, $3  }
0xc6: {  	[dreg:$0x1] =	wrdreg $0xFFFFFFFF  }
0xc7: {  	_ =	task.clear_ibuf [dreg:s7], $0x2FFFF;
	_ =	strace $0x9FFFFFFF  }
0xc8: {  	(tm) =	ssettm $0x7FFFFFFF  }
0xc9: {  	_ =	shalt  }
tec
execute0_lowered:
.L_overlay_start_1:
0x0: {  	(tag) =	ssettag $0x1  }
0x1: {  	s2 =	rddreg [dreg:$0x0];
	s1 =	srdreg.scid  }
0x2: {  	s0 =	stileid.u32;
	s4 =	rddreg [dreg:$0x1];
	s3 =	simm.s32 $0x0  }
0x3: {  	s10 =	simm.s32 $0x1080;
	s11 =	simm.s32 $0x1;
	s12 =	simm.s32 $0x0  }
0x4: {  	s5 =	sand.u32 $0x1, s1;
	s6 =	sshll.u32 s0, $0x1;
	[smem:$0x7FF] =	sst s3  }
0x5: {  	s1 =	rddreg [dreg:$0x2];
	s6 =	sor.u32 s5, s6;
	_ =	strace $0x80000047  }
0x6: {  	s5 =	ssub.s32 $0x2, s5;
	s7 =	sshll.u32 s6, $0x4;
	s8 =	sshll.u32 s6, $0x9  }
0x7: {  	s6 =	sshll.u32 s6, $0xA;
	s9 =	sshrl.u32 s5, $0x1;
	s7 =	sadd.s32 s7, s4  }
0x8: {  	s8 =	sadd.s32 s8, s4;
	s6 =	sadd.s32 s6, s4;
	s9 =	ssub.s32 s5, s9  }
0x9: {  	s4 =	sadd.s32 $0x1A00, s7;
	s5 =	sadd.s32 $0x1C00, s6;
	s6 =	sadd.s32 $0x9C00, s8  }
0xa: {  	v0 =	vimm.f32 $0.0e+00;
	s7 =	smax.u32 s9, $0x1;
	s8 =	simm.s32 $0x2;
	s9 =	simm.s32 $0x80  }
.LBB2_1:
0xb: {  	[tilespmem:s3], [sflag:$0x2] =	stream.linear.gather [hbm4b:s4+s3], $0x80, $0x38;
	[tilespmem:$0x3080] =	vst v63  }
0xc: {  	_ =	swait.ge [sflag:s8], $0x80  }
0xd: {  	[sflag:s8] =	ssyncset.done $0x0  }
0xe: {  	s13 =	simm.s32 $0x10C0;
	[sflag:s8] =	ssyncadd.s32 $0xFFFFFF80  }
0xf: {  	[tilespmem:s9], [sflag:$0x1] =	stream.indirect.gather [hbm4b:s2+s9], $0x20, s3, s9, $0xb8;
	[tilespmem:$0x3080] =	vst v63  }
0x10: {  	[tilespmem:s13+$0xFFFFFFC0] =	vst v0  }
0x11: {  	[tilespmem:s13+$0x30] =	vst v0  }
0x12: {  	[tilespmem:s13+$0x20] =	vst v0  }
0x13: {  	[tilespmem:s13+$0x10] =	vst v0  }
0x14: {  	[tilespmem:s13+$0x0] =	vst v0  }
0x15: {  	[tilespmem:s13+$0xFFFFFFF0] =	vst v0  }
0x16: {  	s14 =	simm.s32 $0x0;
	[tilespmem:s13+$0xFFFFFFE0] =	vst v0  }
.LBB2_2:
0x17: {  	s14 =	sadd.s32 $0x8, s14;
	[tilespmem:s13+$0xFFFFFFD0] =	vst v0;
	s13 =	sadd.s32 $0x80, s13  }
0x18: {  	[tilespmem:s13+$0xFFFFFFC0] =	vst v0;
	p0 =	slt.u32 s14, $0x1F8  }
0x19: {  	[tilespmem:s13+$0x30] =	vst v0  }
.Ltmp0:
0x1a: {  	[tilespmem:s13+$0x20] =	vst v0;
	(pc) =	sbr.rel @p0 .LBB2_2-.Ltmp0, $4  }
0x1b: {  	[tilespmem:s13+$0x10] =	vst v0  }
0x1c: {  	[tilespmem:s13+$0x0] =	vst v0  }
0x1d: {  	[tilespmem:s13+$0xFFFFFFF0] =	vst v0  }
0x1e: {  	[tilespmem:s13+$0xFFFFFFE0] =	vst v0  }
0x1f: {  	[tilespmem:s13+$0xFFFFFFD0] =	vst v0  }
0x20: {  	v1 =	vld [tilespmem:$0x0];
	_ =	sdelay $0x4  }
0x21: {  	(xrf1) =	vunique.msk.u32 $0xffff, v1;
	_ =	sdelay $0xd  }
0x22: {  	_, v2, vm0 =	vpop (xrf1);
	_ =	sdelay $0x3  }
0x23: {  	v2 =	vcvt.s32.f32 v2;
	_ =	sdelay $0x1  }
0x24: {  	[tilespmem:v1+s10+$0x0] =	vst.idx.add.f32.msk vm0, v2  }
0x25: {  	v1 =	vld [tilespmem:$0x10];
	_ =	sdelay $0x4  }
0x26: {  	(xrf1) =	vunique.msk.u32 $0xffff, v1;
	_ =	sdelay $0xd  }
0x27: {  	_, v2, vm0 =	vpop (xrf1);
	_ =	sdelay $0x3  }
0x28: {  	v2 =	vcvt.s32.f32 v2;
	_ =	sdelay $0x1  }
0x29: {  	[tilespmem:v1+s10+$0x0] =	vst.idx.add.f32.msk vm0, v2  }
0x2a: {  	v1 =	vld [tilespmem:$0x20];
	_ =	sdelay $0x4  }
0x2b: {  	(xrf1) =	vunique.msk.u32 $0xffff, v1;
	_ =	sdelay $0xd  }
0x2c: {  	_, v2, vm0 =	vpop (xrf1);
	_ =	sdelay $0x3  }
0x2d: {  	v2 =	vcvt.s32.f32 v2;
	_ =	sdelay $0x1  }
0x2e: {  	[tilespmem:v1+s10+$0x0] =	vst.idx.add.f32.msk vm0, v2  }
0x2f: {  	v1 =	vld [tilespmem:$0x30];
	_ =	sdelay $0x4  }
0x30: {  	(xrf1) =	vunique.msk.u32 $0xffff, v1;
	_ =	sdelay $0xd  }
0x31: {  	_, v2, vm0 =	vpop (xrf1);
	_ =	sdelay $0x3  }
0x32: {  	v2 =	vcvt.s32.f32 v2;
	_ =	sdelay $0x1  }
0x33: {  	[tilespmem:v1+s10+$0x0] =	vst.idx.add.f32.msk vm0, v2  }
0x34: {  	v1 =	vld [tilespmem:$0x40];
	_ =	sdelay $0x4  }
0x35: {  	(xrf1) =	vunique.msk.u32 $0xffff, v1;
	_ =	sdelay $0xd  }
0x36: {  	_, v2, vm0 =	vpop (xrf1);
	_ =	sdelay $0x3  }
0x37: {  	v2 =	vcvt.s32.f32 v2;
	_ =	sdelay $0x1  }
0x38: {  	[tilespmem:v1+s10+$0x0] =	vst.idx.add.f32.msk vm0, v2  }
0x39: {  	v1 =	vld [tilespmem:$0x50];
	_ =	sdelay $0x4  }
0x3a: {  	(xrf1) =	vunique.msk.u32 $0xffff, v1;
	_ =	sdelay $0xd  }
0x3b: {  	_, v2, vm0 =	vpop (xrf1);
	_ =	sdelay $0x3  }
0x3c: {  	v2 =	vcvt.s32.f32 v2;
	_ =	sdelay $0x1  }
0x3d: {  	[tilespmem:v1+s10+$0x0] =	vst.idx.add.f32.msk vm0, v2  }
0x3e: {  	v1 =	vld [tilespmem:$0x60];
	_ =	sdelay $0x4  }
0x3f: {  	(xrf1) =	vunique.msk.u32 $0xffff, v1;
	_ =	sdelay $0xd  }
0x40: {  	_, v2, vm0 =	vpop (xrf1);
	_ =	sdelay $0x3  }
0x41: {  	v2 =	vcvt.s32.f32 v2;
	_ =	sdelay $0x1  }
0x42: {  	[tilespmem:v1+s10+$0x0] =	vst.idx.add.f32.msk vm0, v2  }
0x43: {  	v1 =	vld [tilespmem:$0x70];
	_ =	sdelay $0x4  }
0x44: {  	(xrf1) =	vunique.msk.u32 $0xffff, v1;
	_ =	sdelay $0xd  }
0x45: {  	_, v2, vm0 =	vpop (xrf1);
	_ =	sdelay $0x3  }
0x46: {  	v2 =	vcvt.s32.f32 v2;
	_ =	sdelay $0x1  }
0x47: {  	[tilespmem:v1+s10+$0x0] =	vst.idx.add.f32.msk vm0, v2  }
0x48: {  	[hbm4b:s5+s3] =	stream.linear.scatter [tilespmem:s10], [sflag:$0x2], $0x2000, $0x38;
	[tilespmem:$0x3080] =	vst v63  }
0x49: {  	_ =	swait.ge [sflag:s8], $0x2000  }
0x4a: {  	[sflag:s8] =	ssyncset.done $0x0  }
0x4b: {  	[sflag:s8] =	ssyncadd.s32 $0xFFFFE000  }
0x4c: {  	s12 =	sadd.s32 $0x1, s12;
	_ =	swait.ge [sflag:s11], $0x1000  }
0x4d: {  	p0 =	sne.s32 s12, s7;
	[sflag:s11] =	ssyncset.done $0x0  }
.Ltmp1:
0x4e: {  	[sflag:s11] =	ssyncadd.s32 $0xFFFFF000;
	(pc) =	sbr.rel @p0 .LBB2_1-.Ltmp1, $4  }
0x4f: {  	[hbm4b:s6+s3] =	stream.linear.scatter [tilespmem:s9], [sflag:$0x2], $0x1000, $0x38;
	[tilespmem:$0x3080] =	vst v63  }
0x50: {  	_ =	swait.ge [sflag:s8], $0x1000  }
0x51: {  	[sflag:s8] =	ssyncset.done $0x0  }
0x52: {  	[sflag:s8] =	ssyncadd.s32 $0xFFFFF000  }
0x53: {  	_ =	sfence.sel $0x180000  }
0x54: {  	[bflag:$0x0] =	sbarrier.arrive $0xFFFF  }
0x55: {  	p0 =	sne.s32 s0, $0x0;
	_ =	strace $0x90000047  }
0x56: {  	s0 =	sadd.s32 @!p0 $0x100000, s1;
	[bflag:$0x2] =	sbarrier.arrive $0xFFFF  }
0x57: {  	[sflag:s0] =	ssyncadd.tile.s32 @!p0 $0x1;
	_ =	shalt  }
.Lfunc_end2:
_tile_overlayer_lowered:
.L_overlay_start_2:
0x58: {  	(tag) =	ssettag $0x2  }
0x59: {  	s0 =	rddreg [dreg:$0x0];
	s2 =	stileid.u32  }
0x5a: {  	s1 =	rddreg [dreg:$0x1];
	p0 =	sne.s32 s2, $0x0  }
0x5b: {  	s3 =	rddreg [dreg:$0x2];
	[bflag:$0x3] =	sbarrier.arrive $0xFFFF;
	s2 =	simm.s32 @!p0 $0x1C02  }
0x5c: {  	[timem:s3], [sflag:s2] =	dma.local @!p0 [hbm:s0], s1  }
0x5d: {  	s0 =	simm.s32 @!p0 $0x2  }
0x5e: {  	_ =	swait.ge @!p0 [sflag:s0], s1  }
0x5f: {  	s1 =	ssub.s32 @!p0 $0x0, s1;
	[sflag:s0] =	ssyncset.done @!p0 $0x0  }
0x60: {  	[sflag:s0] =	ssyncadd.s32 @!p0 s1  }
0x61: {  	[bflag:$0x3] =	sbarrier.arrive $0xFFFF  }
0x62: {  	_ =	shalt  }

// kernel: kernel.7.cloned.1.call-start
scs
__scs_entry_jumppad:
0x0: {  	(pc) =	sbr.rel $0x88, $3  }
0x1: {  	(tag) =	ssettag $0x0;
	lr =	simm.s32 $0x1  }
0x2: {  	[smem:$0x3F9F] =	sst lr;
	_ =	strace $0xD0000000  }
0x3: {  	_ = 	snop  }
0x4: {  	_ = 	snop  }
0x5: {  	_ = 	snop  }
0x6: {  	_ = 	snop  }
0x7: {  	_ = 	snop  }
__scs_overlays_trampoline_lowered:
0x8: {  	[smem:$0x3FAE] =	sst s0  }
0x9: {  	[smem:$0x3FAF] =	sst s1  }
0xa: {  	[smem:$0x3FB0] =	sst s2  }
0xb: {  	[smem:$0x3FB1] =	sst s3  }
0xc: {  	[smem:$0x3FB2] =	sst s4  }
0xd: {  	[smem:$0x3FB3] =	sst s5  }
0xe: {  	[smem:$0x3FB4] =	sst s6  }
0xf: {  	[smem:$0x3FB5] =	sst s7  }
0x10: {  	[smem:$0x3FB6] =	sst s8  }
0x11: {  	[smem:$0x3FB7] =	sst s9;
	s0 =	simm.s32 @!p0 $0x0  }
0x12: {  	s1 =	sld [smem:$0x3F9D];
	s0 =	simm.s32 @p0 $0x1  }
0x13: {  	[smem:$0x3FB8] =	sst s0;
	s0 =	simm.s32 @!p1 $0x0  }
0x14: {  	s2 =	sld [smem:$0x3F9C];
	s0 =	simm.s32 @p1 $0x1  }
0x15: {  	[smem:$0x3FB9] =	sst s0;
	s0 =	simm.s32 @!p2 $0x0  }
0x16: {  	s3 =	sld [smem:$0x3FDB];
	s0 =	simm.s32 @p2 $0x1  }
0x17: {  	s4 =	simm.s32 $0x1BF5;
	[smem:$0x3FBB] =	sst s0  }
0x18: {  	s0 =	sld [smem:$0x3F9E];
	_ =	swait.ge [sflag:s4], $0x0  }
0x19: {  	s7 =	sld [smem:$0x3F9F]  }
0x1a: {  	s8 =	sadd.s32 $0xFFFFE003, lr  }
0x1b: {  	s9 =	sadd.s32 $0xFFFFFEF7, lr;
	s5 =	simm.s32 $0xFFFFFFFF;
	p2 =	slt.u32 s8, $0xFFFFF086  }
0x1c: {  	p1 =	slt.u32 s9, $0xF7A;
	s5 =	simm.s32 @!p2 $0x0  }
0x1d: {  	s5 =	simm.s32 @p1 $0x1;
	p0 =	seq.s32 s7, s2  }
0x1e: {  	s7 =	smul.u32 @!p0 $0xF7A, s2;
	p2 =	seq.s32 @!p0 s5, $0x0  }
0x1f: {  	s9 =	smul.u32 $0xF7A, s1;
	s8 =	simm.s32 @!p0 $0x1BF5;
	p2 =	por !p2, p0  }
0x20: {  	[sflag:s8] =	ssyncset.s32 @!p0 $0xFFFFF086;
	s6 =	sadd.s32 @!p0 s3, s7;
	s7 =	simm.s32 @!p0 $0x108  }
0x21: {  	s3 =	sadd.s32 s3, s9;
	s6 =	sadd.s32 @!p0 $0x88, s6;
	s7 =	simm.s32 @p2 $0x1082  }
0x22: {  	[simem:s7], [sflag:s8] =	dma.local @!p0 [hbm:s6], $0xF7A  }
0x23: {  	s9 =	sor.u32 $0xD0000000, s2;
	s6 =	simm.s32 $0x108;
	_ =	swait.ge @!p0 [sflag:s8], $0x0  }
0x24: {  	s3 =	sadd.s32 $0x88, s3;
	s6 =	simm.s32 @!p1 $0x1082;
	[sflag:s4] =	ssyncset.s32 $0xFFFFF086  }
0x25: {  	[simem:s6], [sflag:s4] =	dma.local [hbm:s3], $0xF7A  }
0x26: {  	[smem:$0x3F9F] =	sst s1;
	(tag) =	ssettag s2;
	_ =	strace s9  }
0x27: {  	s1 =	sld [smem:$0x3FAF]  }
0x28: {  	s2 =	sld [smem:$0x3FB0]  }
0x29: {  	s4 =	sld [smem:$0x3FB2]  }
0x2a: {  	p0 =	seq.s32 s5, $0x0;
	s5 =	sld [smem:$0x3FB3]  }
0x2b: {  	s6 =	sld [smem:$0x3FB4]  }
0x2c: {  	s7 =	sld [smem:$0x3FB5]  }
0x2d: {  	s3 =	simm.s32 $0x108;
	s8 =	sld [smem:$0x3FB6]  }
0x2e: {  	s3 =	simm.s32 @!p0 $0x1082;
	s9 =	sld [smem:$0x3FB7]  }
0x2f: {  	lr =	sadd.s32 s0, s3;
	s0 =	sld [smem:$0x3FAE]  }
0x30: {  	s3 =	sld [smem:$0x3FB1]  }
0x31: {  	[smem:$0x3FBA] =	sst s10  }
0x32: {  	s10 =	sld [smem:$0x3FB8];
	_ =	sdelay $0x3  }
0x33: {  	p0 =	seq.s32 s10, $0x1;
	s10 =	sld [smem:$0x3FBA];
	_ =	sdelay $0x3  }
0x34: {  	[smem:$0x3FBA] =	sst s10  }
0x35: {  	s10 =	sld [smem:$0x3FB9];
	_ =	sdelay $0x3  }
0x36: {  	p1 =	seq.s32 s10, $0x1;
	s10 =	sld [smem:$0x3FBA];
	_ =	sdelay $0x3  }
0x37: {  	[smem:$0x3FBA] =	sst s10  }
0x38: {  	s10 =	sld [smem:$0x3FBB]  }
0x39: {  	_ = 	snop;
	(pc) =	sbr.ind lr, $3  }
0x3a: {  	_ = 	snop  }
0x3b: {  	_ = 	snop  }
0x3c: {  	p2 =	seq.s32 s10, $0x1;
	s10 =	sld [smem:$0x3FBA]  }
0x3d: {  	_ =	shalt  }
0x3e: {  	_ =	shalt  }
0x3f: {  	_ =	shalt  }
0x40: {  	_ =	shalt  }
0x41: {  	_ =	shalt  }
0x42: {  	_ =	shalt  }
0x43: {  	_ =	shalt  }
0x44: {  	_ =	shalt  }
0x45: {  	_ =	shalt  }
0x46: {  	_ =	shalt  }
0x47: {  	_ =	shalt  }
0x48: {  	_ =	shalt  }
0x49: {  	_ =	shalt  }
0x4a: {  	_ =	shalt  }
0x4b: {  	_ =	shalt  }
0x4c: {  	_ =	shalt  }
0x4d: {  	_ =	shalt  }
0x4e: {  	_ =	shalt  }
0x4f: {  	_ =	shalt  }
0x50: {  	_ =	shalt  }
0x51: {  	_ =	shalt  }
0x52: {  	_ =	shalt  }
0x53: {  	_ =	shalt  }
0x54: {  	_ =	shalt  }
0x55: {  	_ =	shalt  }
0x56: {  	_ =	shalt  }
0x57: {  	_ =	shalt  }
0x58: {  	_ =	shalt  }
0x59: {  	_ =	shalt  }
0x5a: {  	_ =	shalt  }
0x5b: {  	_ =	shalt  }
0x5c: {  	_ =	shalt  }
0x5d: {  	_ =	shalt  }
0x5e: {  	_ =	shalt  }
0x5f: {  	_ =	shalt  }
0x60: {  	_ =	shalt  }
0x61: {  	_ =	shalt  }
0x62: {  	_ =	shalt  }
0x63: {  	_ =	shalt  }
0x64: {  	_ =	shalt  }
0x65: {  	_ =	shalt  }
0x66: {  	_ =	shalt  }
0x67: {  	_ =	shalt  }
0x68: {  	_ =	shalt  }
0x69: {  	_ =	shalt  }
0x6a: {  	_ =	shalt  }
0x6b: {  	_ =	shalt  }
0x6c: {  	_ =	shalt  }
0x6d: {  	_ =	shalt  }
0x6e: {  	_ =	shalt  }
0x6f: {  	_ =	shalt  }
0x70: {  	_ =	shalt  }
0x71: {  	_ =	shalt  }
0x72: {  	_ =	shalt  }
0x73: {  	_ =	shalt  }
0x74: {  	_ =	shalt  }
0x75: {  	_ =	shalt  }
0x76: {  	_ =	shalt  }
0x77: {  	_ =	shalt  }
0x78: {  	_ =	shalt  }
0x79: {  	_ =	shalt  }
0x7a: {  	_ =	shalt  }
0x7b: {  	_ =	shalt  }
0x7c: {  	_ =	shalt  }
0x7d: {  	_ =	shalt  }
0x7e: {  	_ =	shalt  }
0x7f: {  	_ =	shalt  }
0x80: {  	_ =	shalt  }
0x81: {  	_ =	shalt  }
0x82: {  	_ =	shalt  }
0x83: {  	_ =	shalt  }
0x84: {  	_ =	shalt  }
0x85: {  	_ =	shalt  }
0x86: {  	_ =	shalt  }
0x87: {  	_ =	shalt  }
.Lfunc_end0:
.L_simem_size_0:
called_computation_lowered:
.L_overlay_start_0:
0x88: {  	s2 =	sld [smem:$0x3FD9]  }
0x89: {  	s3 =	sld [smem:$0x3FFE];
	_ =	sdelay $0x1  }
0x8a: {  	s1 =	srdreg.scid  }
0x8b: {  	s0 =	sand.u32 $0x1, s1  }
0x8c: {  	s15 =	sshll.u32 s0, $0xA;
	s2 =	sadd.s32 s3, s2  }
0x8d: {  	s2 =	sadd.s32 s2, s15  }
0x8e: {  	[smem:$0x3FC6] =	sst s2  }
0x8f: {  	_ = 	snop  }
0x90: {  	s2 =	sld [smem:$0x3FD0];
	_ =	sdelay $0x2  }
0x91: {  	s16 =	simm.s32 $0xB;
	s4 =	simm.s32 $0x10  }
0x92: {  	[smem:s4], [sflag:s16] =	dma.local [hbm:s2], $0x1  }
0x93: {  	_ =	swait.eq [sflag:s16], $0x1  }
0x94: {  	[sflag:s16] =	ssyncset.done $0x0  }
0x95: {  	[sflag:s16] =	ssyncadd.s32 $0xFFFFFFFF  }
0x96: {  	s17 =	sld [smem:$0x10];
	(tm) =	ssettm $0x1  }
0x97: {  	s18 =	sld [smem:$0x3FFB];
	_ =	sdelay $0x3  }
0x98: {  	_ =	strace s18  }
0x99: {  	s2 =	sld [smem:$0x3FFC];
	_ =	sdelay $0x3  }
0x9a: {  	_ =	strace s2  }
0x9b: {  	s2 =	sld [smem:$0x3FFD];
	_ =	sdelay $0x3  }
0x9c: {  	_ =	strace s2  }
0x9d: {  	_ =	strace $0x8FFFFFFF  }
0x9e: {  	s19 =	sld [smem:$0x3FDB];
	_ =	sdelay $0x1  }
0x9f: {  	s20 =	simm.s32 $_scs_section_size  }
0xa0: {  	s5 =	simm.s32 $_size__tile_overlayer_lowered;
	s6 =	simm.s32 $_tile_overlayer_lowered  }
0xa1: {  	s7 =	simm.s32 $0x1BFF;
	s21 =	sshll.u32 s6, $0x1;
	s4 =	sadd.s32 s20, s19  }
0xa2: {  	s22 =	simm.s32 $0x0;
	s5 =	sshll.u32 s5, $0x1;
	s6 =	sadd.s32 s21, s4  }
0xa3: {  	[timem:s22], [sflag:s7] =	dma.local [hbm:s6], s5  }
0xa4: {  	_ =	swait.ge [sflag:s7], s5  }
0xa5: {  	s5 =	ssub.s32 $0x0, s5;
	[sflag:s7] =	ssyncset.done $0x0  }
0xa6: {  	[sflag:s7] =	ssyncadd.s32 s5;
	_ =	sdelay $0x1  }
0xa7: {  	s23 =	simm.s32 $0x1B8B  }
0xa8: {  	_ =	swait.ge [sflag:s23], $0x1  }
0xa9: {  	[sflag:s23] =	ssyncset.done $0x0  }
0xaa: {  	[sflag:s23] =	ssyncadd.s32 $0xFFFFFFFF  }
0xab: {  	s5 =	sld [smem:$0x0]  }
0xac: {  	s6 =	sand.u32 $0xFFFFFFFE, s1  }
0xad: {  	p0 =	sne.s32 s1, s6  }
0xae: {  	s6 =	sshll.u32 @p0 s6, $0xE  }
0xaf: {  	s6 =	sadd.s32 @p0 $0x11B8D, s6;
	s7 =	sshll.u32 @p0 s5, $0x11  }
0xb0: {  	s6 =	sor.u32 @p0 s7, s6  }
0xb1: {  	[sflag:s6] =	ssyncadd.remote.s32 @p0 $0x1;
	_ =	sdelay $0x1  }
0xb2: {  	s6 =	simm.s32 @p0 $0x1B8D  }
0xb3: {  	_ =	swait.eq @p0 [sflag:s6], $0x1  }
0xb4: {  	[sflag:s6] =	ssyncadd.s32 @p0 $0xFFFFFFFF  }
0xb5: {  	s7 =	sshll.u32 @!p0 s1, $0xE  }
0xb6: {  	s7 =	sor.u32 @!p0 $0x4000, s7;
	s6 =	simm.s32 @!p0 $0x1B8D  }
0xb7: {  	s5 =	sshll.u32 @!p0 s5, $0x11;
	s7 =	sadd.s32 @!p0 $0x11B8D, s7;
	_ =	swait.eq @!p0 [sflag:s6], $0x1  }
0xb8: {  	s5 =	sor.u32 @!p0 s5, s7;
	[sflag:s6] =	ssyncadd.s32 @!p0 $0xFFFFFFFF  }
0xb9: {  	s25 =	simm.s32 $0x1B8E;
	s24 =	sld [smem:$0x3FFE];
	[sflag:s5] =	ssyncadd.remote.s32 @!p0 $0x1  }
0xba: {  	s26 =	simm.s32 $execute0_lowered;
	[smem:$0x3FD2] =	sst s25  }
0xbb: {  	s6 =	sshll.u32 s26, $0x1;
	_ =	strace $0x80000049;
	[dreg:$0x1] =	wrdreg $0xFFFFFFFF  }
0xbc: {  	s28 =	simm.s32 $_size_execute0_lowered;
	s4 =	sadd.s32 s4, s6;
	[dreg:$0x0] =	wrdreg $0x0  }
0xbd: {  	s6 =	sshll.u32 s28, $0x1;
	[dreg:$0x2] =	wrdreg s4  }
0xbe: {  	[dreg:$0x3] =	wrdreg s6  }
0xbf: {  	[dreg:$0x4] =	wrdreg $0xC0  }
0xc0: {  	_ =	task [dreg:s22], $0x5FFFF  }
0xc1: {  	[dreg:$0x1] =	wrdreg $0xFFFFFFFF  }
0xc2: {  	[dreg:$0x0] =	wrdreg $0x60  }
0xc3: {  	[dreg:$0x2] =	wrdreg s17  }
0xc4: {  	[dreg:$0x3] =	wrdreg s24  }
0xc5: {  	[dreg:$0x4] =	wrdreg $0x9  }
0xc6: {  	_ =	task.clear_ibuf [dreg:s22], $0x5FFFF;
	_ =	strace $0x90000049  }
0xc7: {  	s29 =	simm.s32 $0x9;
	_ =	strace $0x8000004B  }
0xc8: {  	_ =	swait.ge [sflag:s29], $0x1  }
0xc9: {  	[sflag:s29] =	ssyncadd.s32 $0xFFFFFFFF  }
0xca: {  	_ =	strace $0x9000004B  }
0xcb: {  	_ =	sfence  }
0xcc: {  	s30 =	sld [smem:$0x0];
	_ =	sdelay $0x2  }
0xcd: {  	s31 =	sshll.u32 s1, $0xD;
	s1 =	sshrl.u32 s1, $0x2  }
0xce: {  	s4 =	sand.u32 $0x4000, s31;
	s1 =	sadd.s32 s1, s30  }
0xcf: {  	s0 =	sor.u32 s4, s0;
	s1 =	sshll.u32 s1, $0x11  }
0xd0: {  	s0 =	sor.u32 s1, s0  }
0xd1: {  	s0 =	sadd.s32 $0x8F2B, s0  }
0xd2: {  	[sflag:s0] =	ssyncadd.remote.s32 $0x1  }
0xd3: {  	_ =	sfence.sel $0xFFFF  }
0xd4: {  	[dreg:$0x0] =	wrdreg $0xFFFFFFFF;
	(pc) =	sbr.abs _section_cstart, $3  }
0xd5: {  	[dreg:$0x1] =	wrdreg $0xFFFFFFFF  }
0xd6: {  	_ =	task.clear_ibuf [dreg:s22], $0x2FFFF;
	_ =	strace $0x9FFFFFFF  }
0xd7: {  	(tm) =	ssettm $0x7FFFFFFF  }
tec
execute0_lowered:
.L_overlay_start_1:
0x0: {  	(tag) =	ssettag $0x1  }
0x1: {  	s2 =	rddreg [dreg:$0x0];
	s1 =	srdreg.scid  }
0x2: {  	s0 =	stileid.u32;
	s4 =	rddreg [dreg:$0x1];
	s3 =	simm.s32 $0x0  }
0x3: {  	s10 =	simm.s32 $0x1080;
	s11 =	simm.s32 $0x1;
	s12 =	simm.s32 $0x0  }
0x4: {  	s5 =	sand.u32 $0x1, s1;
	s6 =	sshll.u32 s0, $0x1;
	[smem:$0x7FF] =	sst s3  }
0x5: {  	s1 =	rddreg [dreg:$0x2];
	s6 =	sor.u32 s5, s6;
	_ =	strace $0x8000004A  }
0x6: {  	s5 =	ssub.s32 $0x2, s5;
	s7 =	sshll.u32 s6, $0x4;
	s8 =	sshll.u32 s6, $0x9  }
0x7: {  	s6 =	sshll.u32 s6, $0xA;
	s9 =	sshrl.u32 s5, $0x1;
	s7 =	sadd.s32 s7, s4  }
0x8: {  	s8 =	sadd.s32 s8, s4;
	s6 =	sadd.s32 s6, s4;
	s9 =	ssub.s32 s5, s9  }
0x9: {  	s4 =	sadd.s32 $0xDE00, s7;
	s5 =	sadd.s32 $0xE000, s6;
	s6 =	sadd.s32 $0x16000, s8  }
0xa: {  	v0 =	vimm.f32 $0.0e+00;
	s7 =	smax.u32 s9, $0x1;
	s8 =	simm.s32 $0x2;
	s9 =	simm.s32 $0x80  }
.LBB2_1:
0xb: {  	[tilespmem:s3], [sflag:$0x2] =	stream.linear.gather [hbm4b:s4+s3], $0x80, $0x38;
	[tilespmem:$0x3080] =	vst v63  }
0xc: {  	_ =	swait.ge [sflag:s8], $0x80  }
0xd: {  	[sflag:s8] =	ssyncset.done $0x0  }
0xe: {  	s13 =	simm.s32 $0x10C0;
	[sflag:s8] =	ssyncadd.s32 $0xFFFFFF80  }
0xf: {  	[tilespmem:s9], [sflag:$0x1] =	stream.indirect.gather [hbm4b:s2+s9], $0x20, s3, s9, $0xb8;
	[tilespmem:$0x3080] =	vst v63  }
0x10: {  	[tilespmem:s13+$0xFFFFFFC0] =	vst v0  }
0x11: {  	[tilespmem:s13+$0x30] =	vst v0  }
0x12: {  	[tilespmem:s13+$0x20] =	vst v0  }
0x13: {  	[tilespmem:s13+$0x10] =	vst v0  }
0x14: {  	[tilespmem:s13+$0x0] =	vst v0  }
0x15: {  	[tilespmem:s13+$0xFFFFFFF0] =	vst v0  }
0x16: {  	s14 =	simm.s32 $0x0;
	[tilespmem:s13+$0xFFFFFFE0] =	vst v0  }
.LBB2_2:
0x17: {  	s14 =	sadd.s32 $0x8, s14;
	[tilespmem:s13+$0xFFFFFFD0] =	vst v0;
	s13 =	sadd.s32 $0x80, s13  }
0x18: {  	[tilespmem:s13+$0xFFFFFFC0] =	vst v0;
	p0 =	slt.u32 s14, $0x1F8  }
0x19: {  	[tilespmem:s13+$0x30] =	vst v0  }
.Ltmp0:
0x1a: {  	[tilespmem:s13+$0x20] =	vst v0;
	(pc) =	sbr.rel @p0 .LBB2_2-.Ltmp0, $4  }
0x1b: {  	[tilespmem:s13+$0x10] =	vst v0  }
0x1c: {  	[tilespmem:s13+$0x0] =	vst v0  }
0x1d: {  	[tilespmem:s13+$0xFFFFFFF0] =	vst v0  }
0x1e: {  	[tilespmem:s13+$0xFFFFFFE0] =	vst v0  }
0x1f: {  	[tilespmem:s13+$0xFFFFFFD0] =	vst v0  }
0x20: {  	v1 =	vld [tilespmem:$0x0];
	_ =	sdelay $0x4  }
0x21: {  	(xrf1) =	vunique.msk.u32 $0xffff, v1;
	_ =	sdelay $0xd  }
0x22: {  	_, v2, vm0 =	vpop (xrf1);
	_ =	sdelay $0x3  }
0x23: {  	v2 =	vcvt.s32.f32 v2;
	_ =	sdelay $0x1  }
0x24: {  	[tilespmem:v1+s10+$0x0] =	vst.idx.add.f32.msk vm0, v2  }
0x25: {  	v1 =	vld [tilespmem:$0x10];
	_ =	sdelay $0x4  }
0x26: {  	(xrf1) =	vunique.msk.u32 $0xffff, v1;
	_ =	sdelay $0xd  }
0x27: {  	_, v2, vm0 =	vpop (xrf1);
	_ =	sdelay $0x3  }
0x28: {  	v2 =	vcvt.s32.f32 v2;
	_ =	sdelay $0x1  }
0x29: {  	[tilespmem:v1+s10+$0x0] =	vst.idx.add.f32.msk vm0, v2  }
0x2a: {  	v1 =	vld [tilespmem:$0x20];
	_ =	sdelay $0x4  }
0x2b: {  	(xrf1) =	vunique.msk.u32 $0xffff, v1;
	_ =	sdelay $0xd  }
0x2c: {  	_, v2, vm0 =	vpop (xrf1);
	_ =	sdelay $0x3  }
0x2d: {  	v2 =	vcvt.s32.f32 v2;
	_ =	sdelay $0x1  }
0x2e: {  	[tilespmem:v1+s10+$0x0] =	vst.idx.add.f32.msk vm0, v2  }
0x2f: {  	v1 =	vld [tilespmem:$0x30];
	_ =	sdelay $0x4  }
0x30: {  	(xrf1) =	vunique.msk.u32 $0xffff, v1;
	_ =	sdelay $0xd  }
0x31: {  	_, v2, vm0 =	vpop (xrf1);
	_ =	sdelay $0x3  }
0x32: {  	v2 =	vcvt.s32.f32 v2;
	_ =	sdelay $0x1  }
0x33: {  	[tilespmem:v1+s10+$0x0] =	vst.idx.add.f32.msk vm0, v2  }
0x34: {  	v1 =	vld [tilespmem:$0x40];
	_ =	sdelay $0x4  }
0x35: {  	(xrf1) =	vunique.msk.u32 $0xffff, v1;
	_ =	sdelay $0xd  }
0x36: {  	_, v2, vm0 =	vpop (xrf1);
	_ =	sdelay $0x3  }
0x37: {  	v2 =	vcvt.s32.f32 v2;
	_ =	sdelay $0x1  }
0x38: {  	[tilespmem:v1+s10+$0x0] =	vst.idx.add.f32.msk vm0, v2  }
0x39: {  	v1 =	vld [tilespmem:$0x50];
	_ =	sdelay $0x4  }
0x3a: {  	(xrf1) =	vunique.msk.u32 $0xffff, v1;
	_ =	sdelay $0xd  }
0x3b: {  	_, v2, vm0 =	vpop (xrf1);
	_ =	sdelay $0x3  }
0x3c: {  	v2 =	vcvt.s32.f32 v2;
	_ =	sdelay $0x1  }
0x3d: {  	[tilespmem:v1+s10+$0x0] =	vst.idx.add.f32.msk vm0, v2  }
0x3e: {  	v1 =	vld [tilespmem:$0x60];
	_ =	sdelay $0x4  }
0x3f: {  	(xrf1) =	vunique.msk.u32 $0xffff, v1;
	_ =	sdelay $0xd  }
0x40: {  	_, v2, vm0 =	vpop (xrf1);
	_ =	sdelay $0x3  }
0x41: {  	v2 =	vcvt.s32.f32 v2;
	_ =	sdelay $0x1  }
0x42: {  	[tilespmem:v1+s10+$0x0] =	vst.idx.add.f32.msk vm0, v2  }
0x43: {  	v1 =	vld [tilespmem:$0x70];
	_ =	sdelay $0x4  }
0x44: {  	(xrf1) =	vunique.msk.u32 $0xffff, v1;
	_ =	sdelay $0xd  }
0x45: {  	_, v2, vm0 =	vpop (xrf1);
	_ =	sdelay $0x3  }
0x46: {  	v2 =	vcvt.s32.f32 v2;
	_ =	sdelay $0x1  }
0x47: {  	[tilespmem:v1+s10+$0x0] =	vst.idx.add.f32.msk vm0, v2  }
0x48: {  	[hbm4b:s5+s3] =	stream.linear.scatter [tilespmem:s10], [sflag:$0x2], $0x2000, $0x38;
	[tilespmem:$0x3080] =	vst v63  }
0x49: {  	_ =	swait.ge [sflag:s8], $0x2000  }
0x4a: {  	[sflag:s8] =	ssyncset.done $0x0  }
0x4b: {  	[sflag:s8] =	ssyncadd.s32 $0xFFFFE000  }
0x4c: {  	s12 =	sadd.s32 $0x1, s12;
	_ =	swait.ge [sflag:s11], $0x1000  }
0x4d: {  	p0 =	sne.s32 s12, s7;
	[sflag:s11] =	ssyncset.done $0x0  }
.Ltmp1:
0x4e: {  	[sflag:s11] =	ssyncadd.s32 $0xFFFFF000;
	(pc) =	sbr.rel @p0 .LBB2_1-.Ltmp1, $4  }
0x4f: {  	[hbm4b:s6+s3] =	stream.linear.scatter [tilespmem:s9], [sflag:$0x2], $0x1000, $0x38;
	[tilespmem:$0x3080] =	vst v63  }
0x50: {  	_ =	swait.ge [sflag:s8], $0x1000  }
0x51: {  	[sflag:s8] =	ssyncset.done $0x0  }
0x52: {  	[sflag:s8] =	ssyncadd.s32 $0xFFFFF000  }
0x53: {  	_ =	sfence.sel $0x180000  }
0x54: {  	[bflag:$0x0] =	sbarrier.arrive $0xFFFF  }
0x55: {  	p0 =	sne.s32 s0, $0x0;
	_ =	strace $0x9000004A  }
0x56: {  	s0 =	sadd.s32 @!p0 $0x100000, s1;
	[bflag:$0x2] =	sbarrier.arrive $0xFFFF  }
0x57: {  	[sflag:s0] =	ssyncadd.tile.s32 @!p0 $0x1;
	_ =	shalt  }
.Lfunc_end2:
_tile_overlayer_lowered:
.L_overlay_start_2:
0x58: {  	(tag) =	ssettag $0x2  }
0x59: {  	s0 =	rddreg [dreg:$0x0];
	s2 =	stileid.u32  }
0x5a: {  	s1 =	rddreg [dreg:$0x1];
	p0 =	sne.s32 s2, $0x0  }
0x5b: {  	s3 =	rddreg [dreg:$0x2];
	[bflag:$0x3] =	sbarrier.arrive $0xFFFF;
	s2 =	simm.s32 @!p0 $0x1C02  }
0x5c: {  	[timem:s3], [sflag:s2] =	dma.local @!p0 [hbm:s0], s1  }
0x5d: {  	s0 =	simm.s32 @!p0 $0x2  }
0x5e: {  	_ =	swait.ge @!p0 [sflag:s0], s1  }
0x5f: {  	s1 =	ssub.s32 @!p0 $0x0, s1;
	[sflag:s0] =	ssyncset.done @!p0 $0x0  }
0x60: {  	[sflag:s0] =	ssyncadd.s32 @!p0 s1  }
0x61: {  	[bflag:$0x3] =	sbarrier.arrive $0xFFFF  }
0x62: {  	_ =	shalt  }

</sc_bundles>
